<compile_context>
chip_gen: v7x
topology: tpu7x:2x2x1
jax: 0.10.2.dev20260603
libtpu: 0.0.44.dev20260713+nightly
codegen_flags: <defaults>
</compile_context>

<pallas_src>
import functools

import jax
import jax.numpy as jnp
from jax import lax
from jax.experimental import pallas as pl
from jax.experimental.pallas import tpu as pltpu
from jax.experimental.pallas import tpu_sc as plsc

RISE_IDX = 0
VIS_IDX = 2

NC = 2
NS = 16
L = 16
NW = NC * NS

BLK = 128
SUP_K = 3
SUP_V = SUP_K * BLK // L
SUP = SUP_K * BLK


def _sc_body(step, batch, seq, feat,
             raw_hbm, dist_hbm, pt_hbm, pa_hbm, fa_hbm, bi_hbm,
             time_out, act_out, mask_out,
             bi_v, pa_v, fa_v, pt_v,
             idx_dist, idx_rise, idx_dur, dist_vals, rise_vals, dur_vals,
             tbuf, abuf, mbuf, sem0, sem1, sem2):
    stripe = batch // NW
    tilerow = (seq // 128) * 1024
    wid = lax.axis_index("s") * NC + lax.axis_index("c")
    wlo = wid * stripe
    whi = wlo + stripe
    pad = bi_v.shape[0] - step

    cp_bi = pltpu.async_copy(bi_hbm, bi_v.at[pl.ds(0, step)], sem0)
    cp_pa = pltpu.async_copy(pa_hbm, pa_v.at[pl.ds(0, step)], sem0)
    cp_fa = pltpu.async_copy(fa_hbm, fa_v.at[pl.ds(0, step)], sem0)
    cp_pt = pltpu.async_copy(pt_hbm, pt_v.at[pl.ds(0, step)], sem0)

    zeros_i = jnp.zeros((L,), jnp.int32)
    zeros_f = jnp.zeros((L,), jnp.float32)
    ones_i = jnp.ones((L,), jnp.int32)
    iota = lax.iota(jnp.int32, L)

    def zero_body(k, _):
        tbuf[pl.ds(k * L, L)] = zeros_f
        abuf[pl.ds(k * L, L)] = zeros_i
        mbuf[pl.ds(k * L, L)] = zeros_i
        return 0
    lax.fori_loop(0, stripe // L, zero_body, 0)

    cp_bi.wait()

    def pad_body(k, _):
        off = step + k * L
        bi_v[pl.ds(off, L)] = zeros_i - 1
        return 0
    lax.fori_loop(0, pad // L, pad_body, 0)

    def bsearch(target):
        def body(_, st):
            lo, hi = st
            mid = (lo + hi) // 2
            v = plsc.load_gather(bi_v, [zeros_i + mid])[0]
            go_right = v < target
            return (jnp.where(go_right, mid + 1, lo),
                    jnp.where(go_right, hi, mid))
        nit = max(1, int(step).bit_length())
        lo, _ = lax.fori_loop(0, nit, body, (jnp.int32(0), jnp.int32(step)))
        return lo

    lo = bsearch(wlo)
    hi = bsearch(whi)

    cp_pa.wait()
    cp_fa.wait()
    cp_pt.wait()

    def pad_body2(k, _):
        off = step + k * L
        pa_v[pl.ds(off, L)] = zeros_i
        fa_v[pl.ds(off, L)] = zeros_i
        pt_v[pl.ds(off, L)] = zeros_f
        return 0
    lax.fori_loop(0, pad // L, pad_body2, 0)

    vs = lo // L
    nv = (hi + (L - 1)) // L - vs
    nb = (nv + (SUP_V - 1)) // SUP_V

    def block(b, _):
        base = (vs + b * SUP_V) * L

        def build(j, _):
            off = base + j * L
            pa16 = pa_v[pl.ds(off, L)]
            fa16 = fa_v[pl.ds(off, L)]
            bi16 = bi_v[pl.ds(off, L)]
            idx_dist[pl.ds(j * L, L)] = (
                (pa16 >> 3) * tilerow + (fa16 >> 7) * 1024
                + (pa16 & 7) * 128 + (fa16 & 127))
            bc = jnp.maximum(bi16, 0)
            tidx = ((bc >> 3) * tilerow + (fa16 >> 7) * 1024
                    + (bc & 7) * 128 + (fa16 & 127))
            idx_rise[pl.ds(j * L, L)] = tidx + RISE_IDX * batch * seq
            idx_dur[pl.ds(j * L, L)] = tidx + VIS_IDX * batch * seq
            return 0
        lax.fori_loop(0, SUP_V, build, 0)

        cps = []
        for k in range(SUP_K):
            s = pl.ds(k * BLK, BLK)
            cps.append(pltpu.async_copy(
                dist_hbm.at[idx_dist.at[s]], dist_vals.at[s], sem0))
            cps.append(pltpu.async_copy(
                raw_hbm.at[idx_rise.at[s]], rise_vals.at[s], sem1))
            cps.append(pltpu.async_copy(
                raw_hbm.at[idx_dur.at[s]], dur_vals.at[s], sem2))
        for cp in cps:
            cp.wait()

        def compute(j, _):
            off = base + j * L
            arrive = dist_vals[pl.ds(j * L, L)] + pt_v[pl.ds(off, L)]
            rise = rise_vals[pl.ds(j * L, L)]
            dur = dur_vals[pl.ds(j * L, L)]
            new_t = jnp.maximum(arrive, rise) + dur
            bi16 = bi_v[pl.ds(off, L)]
            bnext = plsc.load_gather(bi_v, [iota + (off + 1)])
            valid = ((bi16 != bnext) & (bi16 >= wlo) & (bi16 < whi))
            lidx = jnp.clip(bi16 - wlo, 0, stripe - 1)
            fa16 = fa_v[pl.ds(off, L)]
            plsc.store_scatter(tbuf, [lidx], new_t, mask=valid)
            plsc.store_scatter(abuf, [lidx], fa16, mask=valid)
            plsc.store_scatter(mbuf, [lidx], ones_i, mask=valid)
            return 0
        lax.fori_loop(0, SUP_V, compute, 0)
        return 0

    lax.fori_loop(0, nb, block, 0)

    pltpu.sync_copy(tbuf, time_out.at[pl.ds(wlo, stripe)])
    pltpu.sync_copy(abuf, act_out.at[pl.ds(wlo, stripe)])
    pltpu.sync_copy(mbuf, mask_out.at[pl.ds(wlo, stripe)])


def kernel(raw_inputs_b, dist_mat, present_time, pres_action, future_action,
           batch_idx, batch_size):
    batch, seq, feat = raw_inputs_b.shape
    step = pres_action.shape[0]
    pad = SUP + 2 * L

    raw_tiles = (raw_inputs_b
                 .transpose(2, 0, 1)
                 .reshape(feat, batch // 8, 8, seq // 128, 128)
                 .transpose(0, 1, 3, 2, 4)
                 .reshape(-1))
    dist_tiles = (dist_mat
                  .reshape(seq // 8, 8, seq // 128, 128)
                  .transpose(0, 2, 1, 3)
                  .reshape(-1))
    pt_flat = present_time.reshape(-1)

    body = functools.partial(_sc_body, step, batch, seq, feat)
    time_o, act_o, mask_o = pl.kernel(
        body,
        out_type=[
            jax.ShapeDtypeStruct((batch,), jnp.float32),
            jax.ShapeDtypeStruct((batch,), jnp.int32),
            jax.ShapeDtypeStruct((batch,), jnp.int32),
        ],
        mesh=plsc.VectorSubcoreMesh(core_axis_name="c", subcore_axis_name="s",
                                    num_cores=NC, num_subcores=NS),
        compiler_params=pltpu.CompilerParams(needs_layout_passes=False),
        scratch_types=[
            pltpu.VMEM((step + pad,), jnp.int32),
            pltpu.VMEM((step + pad,), jnp.int32),
            pltpu.VMEM((step + pad,), jnp.int32),
            pltpu.VMEM((step + pad,), jnp.float32),
            pltpu.VMEM((SUP,), jnp.int32),
            pltpu.VMEM((SUP,), jnp.int32),
            pltpu.VMEM((SUP,), jnp.int32),
            pltpu.VMEM((SUP,), jnp.float32),
            pltpu.VMEM((SUP,), jnp.float32),
            pltpu.VMEM((SUP,), jnp.float32),
            pltpu.VMEM((batch // NW,), jnp.float32),
            pltpu.VMEM((batch // NW,), jnp.int32),
            pltpu.VMEM((batch // NW,), jnp.int32),
            pltpu.SemaphoreType.DMA,
            pltpu.SemaphoreType.DMA,
            pltpu.SemaphoreType.DMA,
        ],
    )(raw_tiles, dist_tiles, pt_flat, pres_action, future_action, batch_idx)

    return (time_o.reshape(batch, 1),
            act_o,
            mask_o.astype(jnp.bool_).reshape(batch, 1))

# --- scband reference (transcript-rebuilt; emitter-appended) ---
"""Pipeline reference for scband-beam-search-60653528154542 (READ-ONLY COPY).

The authoritative reference and input builder live on the scoring server;
editing this copy changes nothing except your own understanding.
"""

import jax, jax.numpy as jnp
import numpy as np

RISE_IDX = 0
VIS_IDX = 2


def setup_inputs(seed: int = 0) -> dict:
    key = jax.random.key(seed)
    k1, k2, k3, k4, k5, k6 = jax.random.split(key, 6)
    batch_size = 16384
    seq = 512
    feat = 10
    step = 12288
    raw_inputs_b = jax.random.uniform(k1, (batch_size, seq, feat), dtype=jnp.float32)
    dist_mat = jax.random.uniform(k2, (seq, seq), dtype=jnp.float32)
    present_time = jax.random.uniform(k3, (step, 1), dtype=jnp.float32)
    pres_action = jax.random.randint(k4, (step,), 0, seq, dtype=jnp.int32)
    future_action = jax.random.randint(k5, (step,), 0, seq, dtype=jnp.int32)
    batch_idx = jnp.sort(jax.random.randint(k6, (step,), 0, batch_size, dtype=jnp.int32))
    return {
        "raw_inputs_b": raw_inputs_b,
        "dist_mat": dist_mat,
        "present_time": present_time,
        "pres_action": pres_action,
        "future_action": future_action,
        "batch_idx": batch_idx,
        "batch_size": batch_size,
    }


def reference(raw_inputs_b, dist_mat, present_time, pres_action, future_action, batch_idx, batch_size):
    # ModelUtils.one_step_update: gather-then-scatter beam memory update
    # gather: dist_mat[pres_action, future_action]
    batch_size_static = raw_inputs_b.shape[0]
    bs_zero_f = (jnp.asarray(batch_size) * 0).astype(jnp.float32)
    bs_zero_i = (jnp.asarray(batch_size) * 0).astype(jnp.int32)
    arrive_j = dist_mat[pres_action, future_action][:, None] + present_time
    # gather: raw_inputs_b[batch_idx, future_action, RISE_TIME_WINDOW_IDX]
    rise = raw_inputs_b[batch_idx, future_action, RISE_IDX][:, None]
    wait_j = jnp.maximum(jnp.float32(0.0), rise - arrive_j)
    dur = raw_inputs_b[batch_idx, future_action, VIS_IDX][:, None]
    new_time = arrive_j + wait_j + dur + bs_zero_f
    # scatter-overwrite into full-batch memories routed by batch_idx
    present_time_b = jnp.zeros((batch_size_static, 1), dtype=jnp.float32).at[batch_idx].set(new_time)
    pres_actions_b = jnp.zeros((batch_size_static,), dtype=jnp.int32).at[batch_idx].set(future_action + bs_zero_i)
    step_mask_b = jnp.zeros((batch_size_static, 1), dtype=bool).at[batch_idx].set(True)
    return (present_time_b, pres_actions_b, step_mask_b)

if __name__ == "__main__":
    import jax
    _d = setup_inputs()
    print(jax.jit(kernel)(*tuple(_d.values())))

</pallas_src>

<mosaic_0001>
#map = affine_map<(d0, d1) -> (0)>
module attributes {stable_mosaic.version = 14 : i64} {
  func.func @_sc_body(%arg0: i32, %arg1: i32, %arg2: memref<83886080xf32, #tpu.memory_space<hbm>>, %arg3: memref<262144xf32, #tpu.memory_space<hbm>>, %arg4: memref<12288xf32, #tpu.memory_space<hbm>>, %arg5: memref<12288xi32, #tpu.memory_space<hbm>>, %arg6: memref<12288xi32, #tpu.memory_space<hbm>>, %arg7: memref<12288xi32, #tpu.memory_space<hbm>>, %arg8: memref<16384xf32, #tpu.memory_space<hbm>>, %arg9: memref<16384xi32, #tpu.memory_space<hbm>>, %arg10: memref<16384xi32, #tpu.memory_space<hbm>>, %arg11: memref<12704xi32, #tpu.memory_space<vmem>>, %arg12: memref<12704xi32, #tpu.memory_space<vmem>>, %arg13: memref<12704xi32, #tpu.memory_space<vmem>>, %arg14: memref<12704xf32, #tpu.memory_space<vmem>>, %arg15: memref<384xi32, #tpu.memory_space<vmem>>, %arg16: memref<384xi32, #tpu.memory_space<vmem>>, %arg17: memref<384xi32, #tpu.memory_space<vmem>>, %arg18: memref<384xf32, #tpu.memory_space<vmem>>, %arg19: memref<384xf32, #tpu.memory_space<vmem>>, %arg20: memref<384xf32, #tpu.memory_space<vmem>>, %arg21: memref<512xf32, #tpu.memory_space<vmem>>, %arg22: memref<512xi32, #tpu.memory_space<vmem>>, %arg23: memref<512xi32, #tpu.memory_space<vmem>>, %arg24: memref<!tpu.dma_semaphore, #tpu.memory_space<semaphore_mem>>, %arg25: memref<!tpu.dma_semaphore, #tpu.memory_space<semaphore_mem>>, %arg26: memref<!tpu.dma_semaphore, #tpu.memory_space<semaphore_mem>>) attributes {dimension_semantics = [#tpu.dimension_semantics<core_parallel>, #tpu.dimension_semantics<subcore_parallel>], iteration_bounds = array<i64: 2, 16>, scalar_prefetch = 0 : i64, scratch_operands = 16 : i64, tpu.core_type = #tpu.core_type<sc_vector_subcore>, window_params = [{transform_indices = #map}, {transform_indices = #map}, {transform_indices = #map}, {transform_indices = #map}, {transform_indices = #map}, {transform_indices = #map}, {transform_indices = #map}, {transform_indices = #map}, {transform_indices = #map}]} {
    %mul3A = arith.constant 2 : i32
    %mul3A_0 = arith.muli %arg1, %mul3A : i32
    %add3A = arith.addi %mul3A_0, %arg0 : i32
    %mul3A_1 = arith.constant 512 : i32
    %mul3A_2 = arith.muli %add3A, %mul3A_1 : i32
    %add3A_3 = arith.constant 512 : i32
    %add3A_4 = arith.addi %mul3A_2, %add3A_3 : i32
    %dma_start3A = arith.constant 0 : i32
    %dma_start3A_5 = tpu.memref_slice %arg11[%dma_start3A] : memref<12704xi32, #tpu.memory_space<vmem>> -> memref<12288xi32, #tpu.memory_space<vmem>>
    %dma_start3A_6 = arith.constant 0 : i32
    %dma_start3A_7 = tpu.memref_slice %arg11[%dma_start3A_6] : memref<12704xi32, #tpu.memory_space<vmem>> -> memref<12288xi32, #tpu.memory_space<vmem>>
    tpu.enqueue_dma source(%arg7 : memref<12288xi32, #tpu.memory_space<hbm>>) target(%dma_start3A_7 : memref<12288xi32, #tpu.memory_space<vmem>>) target_semaphore(%arg24 : memref<!tpu.dma_semaphore, #tpu.memory_space<semaphore_mem>>)
    %dma_start3A_8 = arith.constant 0 : i32
    %dma_start3A_9 = tpu.memref_slice %arg12[%dma_start3A_8] : memref<12704xi32, #tpu.memory_space<vmem>> -> memref<12288xi32, #tpu.memory_space<vmem>>
    %dma_start3A_10 = arith.constant 0 : i32
    %dma_start3A_11 = tpu.memref_slice %arg12[%dma_start3A_10] : memref<12704xi32, #tpu.memory_space<vmem>> -> memref<12288xi32, #tpu.memory_space<vmem>>
    tpu.enqueue_dma source(%arg5 : memref<12288xi32, #tpu.memory_space<hbm>>) target(%dma_start3A_11 : memref<12288xi32, #tpu.memory_space<vmem>>) target_semaphore(%arg24 : memref<!tpu.dma_semaphore, #tpu.memory_space<semaphore_mem>>)
    %dma_start3A_12 = arith.constant 0 : i32
    %dma_start3A_13 = tpu.memref_slice %arg13[%dma_start3A_12] : memref<12704xi32, #tpu.memory_space<vmem>> -> memref<12288xi32, #tpu.memory_space<vmem>>
    %dma_start3A_14 = arith.constant 0 : i32
    %dma_start3A_15 = tpu.memref_slice %arg13[%dma_start3A_14] : memref<12704xi32, #tpu.memory_space<vmem>> -> memref<12288xi32, #tpu.memory_space<vmem>>
    tpu.enqueue_dma source(%arg6 : memref<12288xi32, #tpu.memory_space<hbm>>) target(%dma_start3A_15 : memref<12288xi32, #tpu.memory_space<vmem>>) target_semaphore(%arg24 : memref<!tpu.dma_semaphore, #tpu.memory_space<semaphore_mem>>)
    %dma_start3A_16 = arith.constant 0 : i32
    %dma_start3A_17 = tpu.memref_slice %arg14[%dma_start3A_16] : memref<12704xf32, #tpu.memory_space<vmem>> -> memref<12288xf32, #tpu.memory_space<vmem>>
    %dma_start3A_18 = arith.constant 0 : i32
    %dma_start3A_19 = tpu.memref_slice %arg14[%dma_start3A_18] : memref<12704xf32, #tpu.memory_space<vmem>> -> memref<12288xf32, #tpu.memory_space<vmem>>
    tpu.enqueue_dma source(%arg4 : memref<12288xf32, #tpu.memory_space<hbm>>) target(%dma_start3A_19 : memref<12288xf32, #tpu.memory_space<vmem>>) target_semaphore(%arg24 : memref<!tpu.dma_semaphore, #tpu.memory_space<semaphore_mem>>)
    %broadcast_in_dim3A = arith.constant 0 : i32
    %broadcast_in_dim3A_20 = vector.broadcast %broadcast_in_dim3A : i32 to vector<16xi32>
    %broadcast_in_dim3A_21 = arith.constant 0.000000e+00 : f32
    %broadcast_in_dim3A_22 = vector.broadcast %broadcast_in_dim3A_21 : f32 to vector<16xf32>
    %broadcast_in_dim3A_23 = arith.constant 1 : i32
    %broadcast_in_dim3A_24 = vector.broadcast %broadcast_in_dim3A_23 : i32 to vector<16xi32>
    %iota3A = tpu.iota {dimensions = array<i32: 0>} : vector<16xi32>
    %scan3A = arith.constant 0 : i32
    %scan3A_25 = arith.constant 0 : i32
    %scan3A_26 = arith.constant 32 : i32
    %scan3A_27 = arith.addi %scan3A_25, %scan3A_26 : i32
    %scan3A_28 = arith.constant 1 : i32
    %scan3A_29 = scf.for %scan3A_156 = %scan3A_25 to %scan3A_27 step %scan3A_28 iter_args(%scan3A_157 = %scan3A) -> (i32)  : i32 {
      %mul3A_158 = arith.constant 16 : i32
      %mul3A_159 = arith.muli %scan3A_156, %mul3A_158 : i32
      %swap3A = arith.index_cast %mul3A_159 : i32 to index
      %swap3A_160 = tpu.vector_load %arg21[%swap3A] {strides = array<i32>} : memref<512xf32, #tpu.memory_space<vmem>>, vector<16xf32>,
      tpu.vector_store %arg21[%swap3A], %broadcast_in_dim3A_22 {strides = array<i32>} : memref<512xf32, #tpu.memory_space<vmem>>, vector<16xf32>,
      %mul3A_161 = arith.constant 16 : i32
      %mul3A_162 = arith.muli %scan3A_156, %mul3A_161 : i32
      %swap3A_163 = arith.index_cast %mul3A_162 : i32 to index
      %swap3A_164 = tpu.vector_load %arg22[%swap3A_163] {strides = array<i32>} : memref<512xi32, #tpu.memory_space<vmem>>, vector<16xi32>,
      tpu.vector_store %arg22[%swap3A_163], %broadcast_in_dim3A_20 {strides = array<i32>} : memref<512xi32, #tpu.memory_space<vmem>>, vector<16xi32>,
      %mul3A_165 = arith.constant 16 : i32
      %mul3A_166 = arith.muli %scan3A_156, %mul3A_165 : i32
      %swap3A_167 = arith.index_cast %mul3A_166 : i32 to index
      %swap3A_168 = tpu.vector_load %arg23[%swap3A_167] {strides = array<i32>} : memref<512xi32, #tpu.memory_space<vmem>>, vector<16xi32>,
      tpu.vector_store %arg23[%swap3A_167], %broadcast_in_dim3A_20 {strides = array<i32>} : memref<512xi32, #tpu.memory_space<vmem>>, vector<16xi32>,
      %scan3A_169 = arith.constant 0 : i32
      scf.yield %scan3A_169 : i32
    }
    %scan3A_30 = arith.constant 32 : i32
    %dma_wait3A = arith.constant 0 : i32
    %dma_wait3A_31 = tpu.memref_slice %arg11[%dma_wait3A] : memref<12704xi32, #tpu.memory_space<vmem>> -> memref<12288xi32, #tpu.memory_space<vmem>>
    %dma_wait3A_32 = arith.constant 0 : i32
    %dma_wait3A_33 = tpu.memref_slice %arg11[%dma_wait3A_32] : memref<12704xi32, #tpu.memory_space<vmem>> -> memref<12288xi32, #tpu.memory_space<vmem>>
    tpu.wait_dma2 semaphore(%arg24 : memref<!tpu.dma_semaphore, #tpu.memory_space<semaphore_mem>>) src(%arg7 : memref<12288xi32, #tpu.memory_space<hbm>>) dst(%dma_wait3A_33 : memref<12288xi32, #tpu.memory_space<vmem>>)
    %scan3A_34 = arith.constant 0 : i32
    %scan3A_35 = arith.constant 0 : i32
    %scan3A_36 = arith.constant 26 : i32
    %scan3A_37 = arith.addi %scan3A_35, %scan3A_36 : i32
    %scan3A_38 = arith.constant 1 : i32
    %scan3A_39 = scf.for %scan3A_156 = %scan3A_35 to %scan3A_37 step %scan3A_38 iter_args(%scan3A_157 = %scan3A_34) -> (i32)  : i32 {
      %mul3A_158 = arith.constant 16 : i32
      %mul3A_159 = arith.muli %scan3A_156, %mul3A_158 : i32
      %add3A_160 = arith.constant 12288 : i32
      %add3A_161 = arith.addi %add3A_160, %mul3A_159 : i32
      %sub3A_162 = arith.constant 1 : i32
      %sub3A_163 = vector.broadcast %sub3A_162 : i32 to vector<16xi32>
      %sub3A_164 = arith.subi %broadcast_in_dim3A_20, %sub3A_163 : vector<16xi32>
      %swap3A = arith.index_cast %add3A_161 : i32 to index
      %swap3A_165 = tpu.vector_load %arg11[%swap3A] {strides = array<i32>} : memref<12704xi32, #tpu.memory_space<vmem>>, vector<16xi32>,
      tpu.vector_store %arg11[%swap3A], %sub3A_164 {strides = array<i32>} : memref<12704xi32, #tpu.memory_space<vmem>>, vector<16xi32>,
      %scan3A_166 = arith.constant 0 : i32
      scf.yield %scan3A_166 : i32
    }
    %scan3A_40 = arith.constant 26 : i32
    %scan3A_41 = arith.constant 0 : i32
    %scan3A_42 = arith.constant 12288 : i32
    %scan3A_43 = arith.constant 0 : i32
    %scan3A_44 = arith.constant 14 : i32
    %scan3A_45 = arith.addi %scan3A_43, %scan3A_44 : i32
    %scan3A_46 = arith.constant 1 : i32
    %scan3A_47:2 = scf.for %scan3A_156 = %scan3A_43 to %scan3A_45 step %scan3A_46 iter_args(%scan3A_157 = %scan3A_41, %scan3A_158 = %scan3A_42) -> (i32, i32)  : i32 {
      %add3A_159 = arith.addi %scan3A_157, %scan3A_158 : i32
      %jit3A_160 = arith.constant 2 : i32
      %div3A_161 = arith.divsi %add3A_159, %jit3A_160 : i32
      %sign3A_162 = arith.constant 0 : i32
      %sign3A_163 = arith.cmpi sgt, %add3A_159, %sign3A_162 : i32
      %sign3A_164 = arith.extui %sign3A_163 : i1 to i32
      %sign3A_165 = arith.constant 0 : i32
      %sign3A_166 = arith.cmpi slt, %add3A_159, %sign3A_165 : i32
      %sign3A_167 = arith.extui %sign3A_166 : i1 to i32
      %sign3A_168 = arith.subi %sign3A_164, %sign3A_167 : i32
      %sign3A_169 = arith.constant 0 : i32
      %sign3A_170 = arith.cmpi sgt, %jit3A_160, %sign3A_169 : i32
      %sign3A_171 = arith.extui %sign3A_170 : i1 to i32
      %sign3A_172 = arith.constant 0 : i32
      %sign3A_173 = arith.cmpi slt, %jit3A_160, %sign3A_172 : i32
      %sign3A_174 = arith.extui %sign3A_173 : i1 to i32
      %sign3A_175 = arith.subi %sign3A_171, %sign3A_174 : i32
      %ne3A_176 = arith.cmpi ne, %sign3A_168, %sign3A_175 : i32
      %rem3A_177 = arith.remsi %add3A_159, %jit3A_160 : i32
      %ne3A_178 = arith.constant 0 : i32
      %ne3A_179 = arith.cmpi ne, %rem3A_177, %ne3A_178 : i32
      %and3A_180 = arith.andi %ne3A_176, %ne3A_179 : i1
      %sub3A_181 = arith.constant 1 : i32
      %sub3A_182 = arith.subi %div3A_161, %sub3A_181 : i32
      %select_n3A_183 = arith.select %and3A_180, %sub3A_182, %div3A_161 : i32
      %add3A_184 = vector.broadcast %select_n3A_183 : i32 to vector<16xi32>
      %add3A_185 = arith.addi %broadcast_in_dim3A_20, %add3A_184 : vector<16xi32>
      %gather3A = tpu.vector_load_idx %arg11[%add3A_185] : memref<12704xi32, #tpu.memory_space<vmem>>[vector<16xi32>], vector<16xi32>,
      %slice3A = vector.extract_strided_slice %gather3A {offsets = [0], sizes = [1], strides = [1]} : vector<16xi32> to vector<1xi32>
      %squeeze3A = vector.extract %slice3A[0] : i32 from vector<1xi32>
      %lt3A = arith.cmpi slt, %squeeze3A, %mul3A_2 : i32
      %add3A_186 = arith.constant 1 : i32
      %add3A_187 = arith.addi %select_n3A_183, %add3A_186 : i32
      %select_n3A_188 = arith.select %lt3A, %add3A_187, %scan3A_157 : i32
      %select_n3A_189 = arith.select %lt3A, %scan3A_158, %select_n3A_183 : i32
      scf.yield %select_n3A_188, %select_n3A_189 : i32, i32
    }
    %scan3A_48 = arith.constant 14 : i32
    %scan3A_49 = arith.constant 0 : i32
    %scan3A_50 = arith.constant 12288 : i32
    %scan3A_51 = arith.constant 0 : i32
    %scan3A_52 = arith.constant 14 : i32
    %scan3A_53 = arith.addi %scan3A_51, %scan3A_52 : i32
    %scan3A_54 = arith.constant 1 : i32
    %scan3A_55:2 = scf.for %scan3A_156 = %scan3A_51 to %scan3A_53 step %scan3A_54 iter_args(%scan3A_157 = %scan3A_49, %scan3A_158 = %scan3A_50) -> (i32, i32)  : i32 {
      %add3A_159 = arith.addi %scan3A_157, %scan3A_158 : i32
      %jit3A_160 = arith.constant 2 : i32
      %div3A_161 = arith.divsi %add3A_159, %jit3A_160 : i32
      %sign3A_162 = arith.constant 0 : i32
      %sign3A_163 = arith.cmpi sgt, %add3A_159, %sign3A_162 : i32
      %sign3A_164 = arith.extui %sign3A_163 : i1 to i32
      %sign3A_165 = arith.constant 0 : i32
      %sign3A_166 = arith.cmpi slt, %add3A_159, %sign3A_165 : i32
      %sign3A_167 = arith.extui %sign3A_166 : i1 to i32
      %sign3A_168 = arith.subi %sign3A_164, %sign3A_167 : i32
      %sign3A_169 = arith.constant 0 : i32
      %sign3A_170 = arith.cmpi sgt, %jit3A_160, %sign3A_169 : i32
      %sign3A_171 = arith.extui %sign3A_170 : i1 to i32
      %sign3A_172 = arith.constant 0 : i32
      %sign3A_173 = arith.cmpi slt, %jit3A_160, %sign3A_172 : i32
      %sign3A_174 = arith.extui %sign3A_173 : i1 to i32
      %sign3A_175 = arith.subi %sign3A_171, %sign3A_174 : i32
      %ne3A_176 = arith.cmpi ne, %sign3A_168, %sign3A_175 : i32
      %rem3A_177 = arith.remsi %add3A_159, %jit3A_160 : i32
      %ne3A_178 = arith.constant 0 : i32
      %ne3A_179 = arith.cmpi ne, %rem3A_177, %ne3A_178 : i32
      %and3A_180 = arith.andi %ne3A_176, %ne3A_179 : i1
      %sub3A_181 = arith.constant 1 : i32
      %sub3A_182 = arith.subi %div3A_161, %sub3A_181 : i32
      %select_n3A_183 = arith.select %and3A_180, %sub3A_182, %div3A_161 : i32
      %add3A_184 = vector.broadcast %select_n3A_183 : i32 to vector<16xi32>
      %add3A_185 = arith.addi %broadcast_in_dim3A_20, %add3A_184 : vector<16xi32>
      %gather3A = tpu.vector_load_idx %arg11[%add3A_185] : memref<12704xi32, #tpu.memory_space<vmem>>[vector<16xi32>], vector<16xi32>,
      %slice3A = vector.extract_strided_slice %gather3A {offsets = [0], sizes = [1], strides = [1]} : vector<16xi32> to vector<1xi32>
      %squeeze3A = vector.extract %slice3A[0] : i32 from vector<1xi32>
      %lt3A = arith.cmpi slt, %squeeze3A, %add3A_4 : i32
      %add3A_186 = arith.constant 1 : i32
      %add3A_187 = arith.addi %select_n3A_183, %add3A_186 : i32
      %select_n3A_188 = arith.select %lt3A, %add3A_187, %scan3A_157 : i32
      %select_n3A_189 = arith.select %lt3A, %scan3A_158, %select_n3A_183 : i32
      scf.yield %select_n3A_188, %select_n3A_189 : i32, i32
    }
    %scan3A_56 = arith.constant 14 : i32
    %dma_wait3A_57 = arith.constant 0 : i32
    %dma_wait3A_58 = tpu.memref_slice %arg12[%dma_wait3A_57] : memref<12704xi32, #tpu.memory_space<vmem>> -> memref<12288xi32, #tpu.memory_space<vmem>>
    %dma_wait3A_59 = arith.constant 0 : i32
    %dma_wait3A_60 = tpu.memref_slice %arg12[%dma_wait3A_59] : memref<12704xi32, #tpu.memory_space<vmem>> -> memref<12288xi32, #tpu.memory_space<vmem>>
    tpu.wait_dma2 semaphore(%arg24 : memref<!tpu.dma_semaphore, #tpu.memory_space<semaphore_mem>>) src(%arg5 : memref<12288xi32, #tpu.memory_space<hbm>>) dst(%dma_wait3A_60 : memref<12288xi32, #tpu.memory_space<vmem>>)
    %dma_wait3A_61 = arith.constant 0 : i32
    %dma_wait3A_62 = tpu.memref_slice %arg13[%dma_wait3A_61] : memref<12704xi32, #tpu.memory_space<vmem>> -> memref<12288xi32, #tpu.memory_space<vmem>>
    %dma_wait3A_63 = arith.constant 0 : i32
    %dma_wait3A_64 = tpu.memref_slice %arg13[%dma_wait3A_63] : memref<12704xi32, #tpu.memory_space<vmem>> -> memref<12288xi32, #tpu.memory_space<vmem>>
    tpu.wait_dma2 semaphore(%arg24 : memref<!tpu.dma_semaphore, #tpu.memory_space<semaphore_mem>>) src(%arg6 : memref<12288xi32, #tpu.memory_space<hbm>>) dst(%dma_wait3A_64 : memref<12288xi32, #tpu.memory_space<vmem>>)
    %dma_wait3A_65 = arith.constant 0 : i32
    %dma_wait3A_66 = tpu.memref_slice %arg14[%dma_wait3A_65] : memref<12704xf32, #tpu.memory_space<vmem>> -> memref<12288xf32, #tpu.memory_space<vmem>>
    %dma_wait3A_67 = arith.constant 0 : i32
    %dma_wait3A_68 = tpu.memref_slice %arg14[%dma_wait3A_67] : memref<12704xf32, #tpu.memory_space<vmem>> -> memref<12288xf32, #tpu.memory_space<vmem>>
    tpu.wait_dma2 semaphore(%arg24 : memref<!tpu.dma_semaphore, #tpu.memory_space<semaphore_mem>>) src(%arg4 : memref<12288xf32, #tpu.memory_space<hbm>>) dst(%dma_wait3A_68 : memref<12288xf32, #tpu.memory_space<vmem>>)
    %scan3A_69 = arith.constant 0 : i32
    %scan3A_70 = arith.constant 0 : i32
    %scan3A_71 = arith.constant 26 : i32
    %scan3A_72 = arith.addi %scan3A_70, %scan3A_71 : i32
    %scan3A_73 = arith.constant 1 : i32
    %scan3A_74 = scf.for %scan3A_156 = %scan3A_70 to %scan3A_72 step %scan3A_73 iter_args(%scan3A_157 = %scan3A_69) -> (i32)  : i32 {
      %mul3A_158 = arith.constant 16 : i32
      %mul3A_159 = arith.muli %scan3A_156, %mul3A_158 : i32
      %add3A_160 = arith.constant 12288 : i32
      %add3A_161 = arith.addi %add3A_160, %mul3A_159 : i32
      %swap3A = arith.index_cast %add3A_161 : i32 to index
      %swap3A_162 = tpu.vector_load %arg12[%swap3A] {strides = array<i32>} : memref<12704xi32, #tpu.memory_space<vmem>>, vector<16xi32>,
      tpu.vector_store %arg12[%swap3A], %broadcast_in_dim3A_20 {strides = array<i32>} : memref<12704xi32, #tpu.memory_space<vmem>>, vector<16xi32>,
      %swap3A_163 = arith.index_cast %add3A_161 : i32 to index
      %swap3A_164 = tpu.vector_load %arg13[%swap3A_163] {strides = array<i32>} : memref<12704xi32, #tpu.memory_space<vmem>>, vector<16xi32>,
      tpu.vector_store %arg13[%swap3A_163], %broadcast_in_dim3A_20 {strides = array<i32>} : memref<12704xi32, #tpu.memory_space<vmem>>, vector<16xi32>,
      %swap3A_165 = arith.index_cast %add3A_161 : i32 to index
      %swap3A_166 = tpu.vector_load %arg14[%swap3A_165] {strides = array<i32>} : memref<12704xf32, #tpu.memory_space<vmem>>, vector<16xf32>,
      tpu.vector_store %arg14[%swap3A_165], %broadcast_in_dim3A_22 {strides = array<i32>} : memref<12704xf32, #tpu.memory_space<vmem>>, vector<16xf32>,
      %scan3A_167 = arith.constant 0 : i32
      scf.yield %scan3A_167 : i32
    }
    %scan3A_75 = arith.constant 26 : i32
    %jit3A = arith.constant 16 : i32
    %div3A = arith.divsi %scan3A_47#0, %jit3A : i32
    %sign3A = arith.constant 0 : i32
    %sign3A_76 = arith.cmpi sgt, %scan3A_47#0, %sign3A : i32
    %sign3A_77 = arith.extui %sign3A_76 : i1 to i32
    %sign3A_78 = arith.constant 0 : i32
    %sign3A_79 = arith.cmpi slt, %scan3A_47#0, %sign3A_78 : i32
    %sign3A_80 = arith.extui %sign3A_79 : i1 to i32
    %sign3A_81 = arith.subi %sign3A_77, %sign3A_80 : i32
    %sign3A_82 = arith.constant 0 : i32
    %sign3A_83 = arith.cmpi sgt, %jit3A, %sign3A_82 : i32
    %sign3A_84 = arith.extui %sign3A_83 : i1 to i32
    %sign3A_85 = arith.constant 0 : i32
    %sign3A_86 = arith.cmpi slt, %jit3A, %sign3A_85 : i32
    %sign3A_87 = arith.extui %sign3A_86 : i1 to i32
    %sign3A_88 = arith.subi %sign3A_84, %sign3A_87 : i32
    %ne3A = arith.cmpi ne, %sign3A_81, %sign3A_88 : i32
    %rem3A = arith.remsi %scan3A_47#0, %jit3A : i32
    %ne3A_89 = arith.constant 0 : i32
    %ne3A_90 = arith.cmpi ne, %rem3A, %ne3A_89 : i32
    %and3A = arith.andi %ne3A, %ne3A_90 : i1
    %sub3A = arith.constant 1 : i32
    %sub3A_91 = arith.subi %div3A, %sub3A : i32
    %select_n3A = arith.select %and3A, %sub3A_91, %div3A : i32
    %add3A_92 = arith.constant 15 : i32
    %add3A_93 = arith.addi %scan3A_55#0, %add3A_92 : i32
    %jit3A_94 = arith.constant 16 : i32
    %div3A_95 = arith.divsi %add3A_93, %jit3A_94 : i32
    %sign3A_96 = arith.constant 0 : i32
    %sign3A_97 = arith.cmpi sgt, %add3A_93, %sign3A_96 : i32
    %sign3A_98 = arith.extui %sign3A_97 : i1 to i32
    %sign3A_99 = arith.constant 0 : i32
    %sign3A_100 = arith.cmpi slt, %add3A_93, %sign3A_99 : i32
    %sign3A_101 = arith.extui %sign3A_100 : i1 to i32
    %sign3A_102 = arith.subi %sign3A_98, %sign3A_101 : i32
    %sign3A_103 = arith.constant 0 : i32
    %sign3A_104 = arith.cmpi sgt, %jit3A_94, %sign3A_103 : i32
    %sign3A_105 = arith.extui %sign3A_104 : i1 to i32
    %sign3A_106 = arith.constant 0 : i32
    %sign3A_107 = arith.cmpi slt, %jit3A_94, %sign3A_106 : i32
    %sign3A_108 = arith.extui %sign3A_107 : i1 to i32
    %sign3A_109 = arith.subi %sign3A_105, %sign3A_108 : i32
    %ne3A_110 = arith.cmpi ne, %sign3A_102, %sign3A_109 : i32
    %rem3A_111 = arith.remsi %add3A_93, %jit3A_94 : i32
    %ne3A_112 = arith.constant 0 : i32
    %ne3A_113 = arith.cmpi ne, %rem3A_111, %ne3A_112 : i32
    %and3A_114 = arith.andi %ne3A_110, %ne3A_113 : i1
    %sub3A_115 = arith.constant 1 : i32
    %sub3A_116 = arith.subi %div3A_95, %sub3A_115 : i32
    %select_n3A_117 = arith.select %and3A_114, %sub3A_116, %div3A_95 : i32
    %sub3A_118 = arith.subi %select_n3A_117, %select_n3A : i32
    %add3A_119 = arith.constant 23 : i32
    %add3A_120 = arith.addi %sub3A_118, %add3A_119 : i32
    %jit3A_121 = arith.constant 24 : i32
    %div3A_122 = arith.divsi %add3A_120, %jit3A_121 : i32
    %sign3A_123 = arith.constant 0 : i32
    %sign3A_124 = arith.cmpi sgt, %add3A_120, %sign3A_123 : i32
    %sign3A_125 = arith.extui %sign3A_124 : i1 to i32
    %sign3A_126 = arith.constant 0 : i32
    %sign3A_127 = arith.cmpi slt, %add3A_120, %sign3A_126 : i32
    %sign3A_128 = arith.extui %sign3A_127 : i1 to i32
    %sign3A_129 = arith.subi %sign3A_125, %sign3A_128 : i32
    %sign3A_130 = arith.constant 0 : i32
    %sign3A_131 = arith.cmpi sgt, %jit3A_121, %sign3A_130 : i32
    %sign3A_132 = arith.extui %sign3A_131 : i1 to i32
    %sign3A_133 = arith.constant 0 : i32
    %sign3A_134 = arith.cmpi slt, %jit3A_121, %sign3A_133 : i32
    %sign3A_135 = arith.extui %sign3A_134 : i1 to i32
    %sign3A_136 = arith.subi %sign3A_132, %sign3A_135 : i32
    %ne3A_137 = arith.cmpi ne, %sign3A_129, %sign3A_136 : i32
    %rem3A_138 = arith.remsi %add3A_120, %jit3A_121 : i32
    %ne3A_139 = arith.constant 0 : i32
    %ne3A_140 = arith.cmpi ne, %rem3A_138, %ne3A_139 : i32
    %and3A_141 = arith.andi %ne3A_137, %ne3A_140 : i1
    %sub3A_142 = arith.constant 1 : i32
    %sub3A_143 = arith.subi %div3A_122, %sub3A_142 : i32
    %select_n3A_144 = arith.select %and3A_141, %sub3A_143, %div3A_122 : i32
    %while3A = arith.constant 0 : i32
    %while3A_145 = arith.constant 0 : i32
    %while3A_146 = arith.subi %select_n3A_144, %while3A : i32
    %while3A_147 = arith.addi %while3A, %while3A_146 : i32
    %while3A_148 = arith.constant 1 : i32
    %while3A_149 = arith.divsi %while3A_146, %while3A_148 : i32
    %while3A_150 = arith.muli %while3A_149, %while3A_148 : i32
    %while3A_151 = arith.addi %while3A, %while3A_150 : i32
    %while3A_152 = arith.constant 1 : i32
    %while3A_153 = scf.for %while3A_156 = %while3A to %while3A_151 step %while3A_152 iter_args(%while3A_157 = %while3A_145) -> (i32)  : i32 {
      %mul3A_158 = arith.constant 24 : i32
      %mul3A_159 = arith.muli %while3A_156, %mul3A_158 : i32
      %add3A_160 = arith.addi %select_n3A, %mul3A_159 : i32
      %mul3A_161 = arith.constant 16 : i32
      %mul3A_162 = arith.muli %add3A_160, %mul3A_161 : i32
      %scan3A_163 = arith.constant 0 : i32
      %scan3A_164 = arith.constant 0 : i32
      %scan3A_165 = arith.constant 24 : i32
      %scan3A_166 = arith.addi %scan3A_164, %scan3A_165 : i32
      %scan3A_167 = arith.constant 1 : i32
      %scan3A_168 = scf.for %scan3A_286 = %scan3A_164 to %scan3A_166 step %scan3A_167 iter_args(%scan3A_287 = %scan3A_163) -> (i32)  : i32 {
        %mul3A_288 = arith.constant 16 : i32
        %mul3A_289 = arith.muli %scan3A_286, %mul3A_288 : i32
        %add3A_290 = arith.addi %mul3A_162, %mul3A_289 : i32
        %get3A = arith.index_cast %add3A_290 : i32 to index
        %get3A_291 = tpu.vector_load %arg12[%get3A] {strides = array<i32>} : memref<12704xi32, #tpu.memory_space<vmem>>, vector<16xi32>,
        %get3A_292 = arith.index_cast %add3A_290 : i32 to index
        %get3A_293 = tpu.vector_load %arg13[%get3A_292] {strides = array<i32>} : memref<12704xi32, #tpu.memory_space<vmem>>, vector<16xi32>,
        %get3A_294 = arith.index_cast %add3A_290 : i32 to index
        %get3A_295 = tpu.vector_load %arg11[%get3A_294] {strides = array<i32>} : memref<12704xi32, #tpu.memory_space<vmem>>, vector<16xi32>,
        %shift_right_arithmetic3A = arith.constant 3 : i32
        %shift_right_arithmetic3A_296 = vector.broadcast %shift_right_arithmetic3A : i32 to vector<16xi32>
        %shift_right_arithmetic3A_297 = arith.shrsi %get3A_291, %shift_right_arithmetic3A_296 : vector<16xi32>
        %mul3A_298 = arith.constant 4096 : i32
        %mul3A_299 = vector.broadcast %mul3A_298 : i32 to vector<16xi32>
        %mul3A_300 = arith.muli %shift_right_arithmetic3A_297, %mul3A_299 : vector<16xi32>
        %shift_right_arithmetic3A_301 = arith.constant 7 : i32
        %shift_right_arithmetic3A_302 = vector.broadcast %shift_right_arithmetic3A_301 : i32 to vector<16xi32>
        %shift_right_arithmetic3A_303 = arith.shrsi %get3A_293, %shift_right_arithmetic3A_302 : vector<16xi32>
        %mul3A_304 = arith.constant 1024 : i32
        %mul3A_305 = vector.broadcast %mul3A_304 : i32 to vector<16xi32>
        %mul3A_306 = arith.muli %shift_right_arithmetic3A_303, %mul3A_305 : vector<16xi32>
        %add3A_307 = arith.addi %mul3A_300, %mul3A_306 : vector<16xi32>
        %and3A_308 = arith.constant 7 : i32
        %and3A_309 = vector.broadcast %and3A_308 : i32 to vector<16xi32>
        %and3A_310 = arith.andi %get3A_291, %and3A_309 : vector<16xi32>
        %mul3A_311 = arith.constant 128 : i32
        %mul3A_312 = vector.broadcast %mul3A_311 : i32 to vector<16xi32>
        %mul3A_313 = arith.muli %and3A_310, %mul3A_312 : vector<16xi32>
        %add3A_314 = arith.addi %add3A_307, %mul3A_313 : vector<16xi32>
        %and3A_315 = arith.constant 127 : i32
        %and3A_316 = vector.broadcast %and3A_315 : i32 to vector<16xi32>
        %and3A_317 = arith.andi %get3A_293, %and3A_316 : vector<16xi32>
        %add3A_318 = arith.addi %add3A_314, %and3A_317 : vector<16xi32>
        %mul3A_319 = arith.constant 16 : i32
        %mul3A_320 = arith.muli %scan3A_286, %mul3A_319 : i32
        %swap3A = arith.index_cast %mul3A_320 : i32 to index
        %swap3A_321 = tpu.vector_load %arg15[%swap3A] {strides = array<i32>} : memref<384xi32, #tpu.memory_space<vmem>>, vector<16xi32>,
        tpu.vector_store %arg15[%swap3A], %add3A_318 {strides = array<i32>} : memref<384xi32, #tpu.memory_space<vmem>>, vector<16xi32>,
        %max3A = arith.constant 0 : i32
        %max3A_322 = vector.broadcast %max3A : i32 to vector<16xi32>
        %max3A_323 = arith.maxsi %get3A_295, %max3A_322 : vector<16xi32>
        %shift_right_arithmetic3A_324 = arith.constant 3 : i32
        %shift_right_arithmetic3A_325 = vector.broadcast %shift_right_arithmetic3A_324 : i32 to vector<16xi32>
        %shift_right_arithmetic3A_326 = arith.shrsi %max3A_323, %shift_right_arithmetic3A_325 : vector<16xi32>
        %mul3A_327 = arith.constant 4096 : i32
        %mul3A_328 = vector.broadcast %mul3A_327 : i32 to vector<16xi32>
        %mul3A_329 = arith.muli %shift_right_arithmetic3A_326, %mul3A_328 : vector<16xi32>
        %shift_right_arithmetic3A_330 = arith.constant 7 : i32
        %shift_right_arithmetic3A_331 = vector.broadcast %shift_right_arithmetic3A_330 : i32 to vector<16xi32>
        %shift_right_arithmetic3A_332 = arith.shrsi %get3A_293, %shift_right_arithmetic3A_331 : vector<16xi32>
        %mul3A_333 = arith.constant 1024 : i32
        %mul3A_334 = vector.broadcast %mul3A_333 : i32 to vector<16xi32>
        %mul3A_335 = arith.muli %shift_right_arithmetic3A_332, %mul3A_334 : vector<16xi32>
        %add3A_336 = arith.addi %mul3A_329, %mul3A_335 : vector<16xi32>
        %and3A_337 = arith.constant 7 : i32
        %and3A_338 = vector.broadcast %and3A_337 : i32 to vector<16xi32>
        %and3A_339 = arith.andi %max3A_323, %and3A_338 : vector<16xi32>
        %mul3A_340 = arith.constant 128 : i32
        %mul3A_341 = vector.broadcast %mul3A_340 : i32 to vector<16xi32>
        %mul3A_342 = arith.muli %and3A_339, %mul3A_341 : vector<16xi32>
        %add3A_343 = arith.addi %add3A_336, %mul3A_342 : vector<16xi32>
        %and3A_344 = arith.constant 127 : i32
        %and3A_345 = vector.broadcast %and3A_344 : i32 to vector<16xi32>
        %and3A_346 = arith.andi %get3A_293, %and3A_345 : vector<16xi32>
        %add3A_347 = arith.addi %add3A_343, %and3A_346 : vector<16xi32>
        %add3A_348 = arith.constant 0 : i32
        %add3A_349 = vector.broadcast %add3A_348 : i32 to vector<16xi32>
        %add3A_350 = arith.addi %add3A_347, %add3A_349 : vector<16xi32>
        %mul3A_351 = arith.constant 16 : i32
        %mul3A_352 = arith.muli %scan3A_286, %mul3A_351 : i32
        %swap3A_353 = arith.index_cast %mul3A_352 : i32 to index
        %swap3A_354 = tpu.vector_load %arg16[%swap3A_353] {strides = array<i32>} : memref<384xi32, #tpu.memory_space<vmem>>, vector<16xi32>,
        tpu.vector_store %arg16[%swap3A_353], %add3A_350 {strides = array<i32>} : memref<384xi32, #tpu.memory_space<vmem>>, vector<16xi32>,
        %add3A_355 = arith.constant 16777216 : i32
        %add3A_356 = vector.broadcast %add3A_355 : i32 to vector<16xi32>
        %add3A_357 = arith.addi %add3A_347, %add3A_356 : vector<16xi32>
        %mul3A_358 = arith.constant 16 : i32
        %mul3A_359 = arith.muli %scan3A_286, %mul3A_358 : i32
        %swap3A_360 = arith.index_cast %mul3A_359 : i32 to index
        %swap3A_361 = tpu.vector_load %arg17[%swap3A_360] {strides = array<i32>} : memref<384xi32, #tpu.memory_space<vmem>>, vector<16xi32>,
        tpu.vector_store %arg17[%swap3A_360], %add3A_357 {strides = array<i32>} : memref<384xi32, #tpu.memory_space<vmem>>, vector<16xi32>,
        %scan3A_362 = arith.constant 0 : i32
        scf.yield %scan3A_362 : i32
      }
      %scan3A_169 = arith.constant 24 : i32
      %dma_start3A_170 = arith.constant 0 : i32
      %dma_start3A_171 = tpu.memref_slice %arg18[%dma_start3A_170] : memref<384xf32, #tpu.memory_space<vmem>> -> memref<128xf32, #tpu.memory_space<vmem>>
      %dma_start3A_172 = arith.constant 0 : i32
      %dma_start3A_173 = tpu.memref_slice %arg15[%dma_start3A_172] : memref<384xi32, #tpu.memory_space<vmem>> -> memref<128xi32, #tpu.memory_space<vmem>>
      %dma_start3A_174 = arith.constant 0 : i32
      %dma_start3A_175 = tpu.memref_slice %arg3[%dma_start3A_174] : memref<262144xf32, #tpu.memory_space<hbm>> -> memref<262144xf32, #tpu.memory_space<hbm>>
      tpu.enqueue_indirect_dma source(%dma_start3A_175 : memref<262144xf32, #tpu.memory_space<hbm>>) target(%dma_start3A_171 : memref<128xf32, #tpu.memory_space<vmem>>) offsets(%dma_start3A_173 : memref<128xi32, #tpu.memory_space<vmem>>) semaphore(%arg24 : memref<!tpu.dma_semaphore, #tpu.memory_space<semaphore_mem>>)
      %dma_start3A_176 = arith.constant 0 : i32
      %dma_start3A_177 = tpu.memref_slice %arg19[%dma_start3A_176] : memref<384xf32, #tpu.memory_space<vmem>> -> memref<128xf32, #tpu.memory_space<vmem>>
      %dma_start3A_178 = arith.constant 0 : i32
      %dma_start3A_179 = tpu.memref_slice %arg16[%dma_start3A_178] : memref<384xi32, #tpu.memory_space<vmem>> -> memref<128xi32, #tpu.memory_space<vmem>>
      %dma_start3A_180 = arith.constant 0 : i32
      %dma_start3A_181 = tpu.memref_slice %arg2[%dma_start3A_180] : memref<83886080xf32, #tpu.memory_space<hbm>> -> memref<83886080xf32, #tpu.memory_space<hbm>>
      tpu.enqueue_indirect_dma source(%dma_start3A_181 : memref<83886080xf32, #tpu.memory_space<hbm>>) target(%dma_start3A_177 : memref<128xf32, #tpu.memory_space<vmem>>) offsets(%dma_start3A_179 : memref<128xi32, #tpu.memory_space<vmem>>) semaphore(%arg25 : memref<!tpu.dma_semaphore, #tpu.memory_space<semaphore_mem>>)
      %dma_start3A_182 = arith.constant 0 : i32
      %dma_start3A_183 = tpu.memref_slice %arg20[%dma_start3A_182] : memref<384xf32, #tpu.memory_space<vmem>> -> memref<128xf32, #tpu.memory_space<vmem>>
      %dma_start3A_184 = arith.constant 0 : i32
      %dma_start3A_185 = tpu.memref_slice %arg17[%dma_start3A_184] : memref<384xi32, #tpu.memory_space<vmem>> -> memref<128xi32, #tpu.memory_space<vmem>>
      %dma_start3A_186 = arith.constant 0 : i32
      %dma_start3A_187 = tpu.memref_slice %arg2[%dma_start3A_186] : memref<83886080xf32, #tpu.memory_space<hbm>> -> memref<83886080xf32, #tpu.memory_space<hbm>>
      tpu.enqueue_indirect_dma source(%dma_start3A_187 : memref<83886080xf32, #tpu.memory_space<hbm>>) target(%dma_start3A_183 : memref<128xf32, #tpu.memory_space<vmem>>) offsets(%dma_start3A_185 : memref<128xi32, #tpu.memory_space<vmem>>) semaphore(%arg26 : memref<!tpu.dma_semaphore, #tpu.memory_space<semaphore_mem>>)
      %dma_start3A_188 = arith.constant 128 : i32
      %dma_start3A_189 = tpu.memref_slice %arg18[%dma_start3A_188] : memref<384xf32, #tpu.memory_space<vmem>> -> memref<128xf32, #tpu.memory_space<vmem>>
      %dma_start3A_190 = arith.constant 128 : i32
      %dma_start3A_191 = tpu.memref_slice %arg15[%dma_start3A_190] : memref<384xi32, #tpu.memory_space<vmem>> -> memref<128xi32, #tpu.memory_space<vmem>>
      %dma_start3A_192 = arith.constant 0 : i32
      %dma_start3A_193 = tpu.memref_slice %arg3[%dma_start3A_192] : memref<262144xf32, #tpu.memory_space<hbm>> -> memref<262144xf32, #tpu.memory_space<hbm>>
      tpu.enqueue_indirect_dma source(%dma_start3A_193 : memref<262144xf32, #tpu.memory_space<hbm>>) target(%dma_start3A_189 : memref<128xf32, #tpu.memory_space<vmem>>) offsets(%dma_start3A_191 : memref<128xi32, #tpu.memory_space<vmem>>) semaphore(%arg24 : memref<!tpu.dma_semaphore, #tpu.memory_space<semaphore_mem>>)
      %dma_start3A_194 = arith.constant 128 : i32
      %dma_start3A_195 = tpu.memref_slice %arg19[%dma_start3A_194] : memref<384xf32, #tpu.memory_space<vmem>> -> memref<128xf32, #tpu.memory_space<vmem>>
      %dma_start3A_196 = arith.constant 128 : i32
      %dma_start3A_197 = tpu.memref_slice %arg16[%dma_start3A_196] : memref<384xi32, #tpu.memory_space<vmem>> -> memref<128xi32, #tpu.memory_space<vmem>>
      %dma_start3A_198 = arith.constant 0 : i32
      %dma_start3A_199 = tpu.memref_slice %arg2[%dma_start3A_198] : memref<83886080xf32, #tpu.memory_space<hbm>> -> memref<83886080xf32, #tpu.memory_space<hbm>>
      tpu.enqueue_indirect_dma source(%dma_start3A_199 : memref<83886080xf32, #tpu.memory_space<hbm>>) target(%dma_start3A_195 : memref<128xf32, #tpu.memory_space<vmem>>) offsets(%dma_start3A_197 : memref<128xi32, #tpu.memory_space<vmem>>) semaphore(%arg25 : memref<!tpu.dma_semaphore, #tpu.memory_space<semaphore_mem>>)
      %dma_start3A_200 = arith.constant 128 : i32
      %dma_start3A_201 = tpu.memref_slice %arg20[%dma_start3A_200] : memref<384xf32, #tpu.memory_space<vmem>> -> memref<128xf32, #tpu.memory_space<vmem>>
      %dma_start3A_202 = arith.constant 128 : i32
      %dma_start3A_203 = tpu.memref_slice %arg17[%dma_start3A_202] : memref<384xi32, #tpu.memory_space<vmem>> -> memref<128xi32, #tpu.memory_space<vmem>>
      %dma_start3A_204 = arith.constant 0 : i32
      %dma_start3A_205 = tpu.memref_slice %arg2[%dma_start3A_204] : memref<83886080xf32, #tpu.memory_space<hbm>> -> memref<83886080xf32, #tpu.memory_space<hbm>>
      tpu.enqueue_indirect_dma source(%dma_start3A_205 : memref<83886080xf32, #tpu.memory_space<hbm>>) target(%dma_start3A_201 : memref<128xf32, #tpu.memory_space<vmem>>) offsets(%dma_start3A_203 : memref<128xi32, #tpu.memory_space<vmem>>) semaphore(%arg26 : memref<!tpu.dma_semaphore, #tpu.memory_space<semaphore_mem>>)
      %dma_start3A_206 = arith.constant 256 : i32
      %dma_start3A_207 = tpu.memref_slice %arg18[%dma_start3A_206] : memref<384xf32, #tpu.memory_space<vmem>> -> memref<128xf32, #tpu.memory_space<vmem>>
      %dma_start3A_208 = arith.constant 256 : i32
      %dma_start3A_209 = tpu.memref_slice %arg15[%dma_start3A_208] : memref<384xi32, #tpu.memory_space<vmem>> -> memref<128xi32, #tpu.memory_space<vmem>>
      %dma_start3A_210 = arith.constant 0 : i32
      %dma_start3A_211 = tpu.memref_slice %arg3[%dma_start3A_210] : memref<262144xf32, #tpu.memory_space<hbm>> -> memref<262144xf32, #tpu.memory_space<hbm>>
      tpu.enqueue_indirect_dma source(%dma_start3A_211 : memref<262144xf32, #tpu.memory_space<hbm>>) target(%dma_start3A_207 : memref<128xf32, #tpu.memory_space<vmem>>) offsets(%dma_start3A_209 : memref<128xi32, #tpu.memory_space<vmem>>) semaphore(%arg24 : memref<!tpu.dma_semaphore, #tpu.memory_space<semaphore_mem>>)
      %dma_start3A_212 = arith.constant 256 : i32
      %dma_start3A_213 = tpu.memref_slice %arg19[%dma_start3A_212] : memref<384xf32, #tpu.memory_space<vmem>> -> memref<128xf32, #tpu.memory_space<vmem>>
      %dma_start3A_214 = arith.constant 256 : i32
      %dma_start3A_215 = tpu.memref_slice %arg16[%dma_start3A_214] : memref<384xi32, #tpu.memory_space<vmem>> -> memref<128xi32, #tpu.memory_space<vmem>>
      %dma_start3A_216 = arith.constant 0 : i32
      %dma_start3A_217 = tpu.memref_slice %arg2[%dma_start3A_216] : memref<83886080xf32, #tpu.memory_space<hbm>> -> memref<83886080xf32, #tpu.memory_space<hbm>>
      tpu.enqueue_indirect_dma source(%dma_start3A_217 : memref<83886080xf32, #tpu.memory_space<hbm>>) target(%dma_start3A_213 : memref<128xf32, #tpu.memory_space<vmem>>) offsets(%dma_start3A_215 : memref<128xi32, #tpu.memory_space<vmem>>) semaphore(%arg25 : memref<!tpu.dma_semaphore, #tpu.memory_space<semaphore_mem>>)
      %dma_start3A_218 = arith.constant 256 : i32
      %dma_start3A_219 = tpu.memref_slice %arg20[%dma_start3A_218] : memref<384xf32, #tpu.memory_space<vmem>> -> memref<128xf32, #tpu.memory_space<vmem>>
      %dma_start3A_220 = arith.constant 256 : i32
      %dma_start3A_221 = tpu.memref_slice %arg17[%dma_start3A_220] : memref<384xi32, #tpu.memory_space<vmem>> -> memref<128xi32, #tpu.memory_space<vmem>>
      %dma_start3A_222 = arith.constant 0 : i32
      %dma_start3A_223 = tpu.memref_slice %arg2[%dma_start3A_222] : memref<83886080xf32, #tpu.memory_space<hbm>> -> memref<83886080xf32, #tpu.memory_space<hbm>>
      tpu.enqueue_indirect_dma source(%dma_start3A_223 : memref<83886080xf32, #tpu.memory_space<hbm>>) target(%dma_start3A_219 : memref<128xf32, #tpu.memory_space<vmem>>) offsets(%dma_start3A_221 : memref<128xi32, #tpu.memory_space<vmem>>) semaphore(%arg26 : memref<!tpu.dma_semaphore, #tpu.memory_space<semaphore_mem>>)
      %dma_wait3A_224 = arith.constant 0 : i32
      %dma_wait3A_225 = tpu.memref_slice %arg18[%dma_wait3A_224] : memref<384xf32, #tpu.memory_space<vmem>> -> memref<128xf32, #tpu.memory_space<vmem>>
      %dma_wait3A_226 = arith.constant 0 : i32
      %dma_wait3A_227 = tpu.memref_slice %arg15[%dma_wait3A_226] : memref<384xi32, #tpu.memory_space<vmem>> -> memref<128xi32, #tpu.memory_space<vmem>>
      %dma_wait3A_228 = arith.constant 0 : i32
      %dma_wait3A_229 = tpu.memref_slice %arg3[%dma_wait3A_228] : memref<262144xf32, #tpu.memory_space<hbm>> -> memref<262144xf32, #tpu.memory_space<hbm>>
      tpu.wait_indirect_dma semaphore(%arg24 : memref<!tpu.dma_semaphore, #tpu.memory_space<semaphore_mem>>) src(%dma_wait3A_229 : memref<262144xf32, #tpu.memory_space<hbm>>) dst(%dma_wait3A_225 : memref<128xf32, #tpu.memory_space<vmem>>)
      %dma_wait3A_230 = arith.constant 0 : i32
      %dma_wait3A_231 = tpu.memref_slice %arg19[%dma_wait3A_230] : memref<384xf32, #tpu.memory_space<vmem>> -> memref<128xf32, #tpu.memory_space<vmem>>
      %dma_wait3A_232 = arith.constant 0 : i32
      %dma_wait3A_233 = tpu.memref_slice %arg16[%dma_wait3A_232] : memref<384xi32, #tpu.memory_space<vmem>> -> memref<128xi32, #tpu.memory_space<vmem>>
      %dma_wait3A_234 = arith.constant 0 : i32
      %dma_wait3A_235 = tpu.memref_slice %arg2[%dma_wait3A_234] : memref<83886080xf32, #tpu.memory_space<hbm>> -> memref<83886080xf32, #tpu.memory_space<hbm>>
      tpu.wait_indirect_dma semaphore(%arg25 : memref<!tpu.dma_semaphore, #tpu.memory_space<semaphore_mem>>) src(%dma_wait3A_235 : memref<83886080xf32, #tpu.memory_space<hbm>>) dst(%dma_wait3A_231 : memref<128xf32, #tpu.memory_space<vmem>>)
      %dma_wait3A_236 = arith.constant 0 : i32
      %dma_wait3A_237 = tpu.memref_slice %arg20[%dma_wait3A_236] : memref<384xf32, #tpu.memory_space<vmem>> -> memref<128xf32, #tpu.memory_space<vmem>>
      %dma_wait3A_238 = arith.constant 0 : i32
      %dma_wait3A_239 = tpu.memref_slice %arg17[%dma_wait3A_238] : memref<384xi32, #tpu.memory_space<vmem>> -> memref<128xi32, #tpu.memory_space<vmem>>
      %dma_wait3A_240 = arith.constant 0 : i32
      %dma_wait3A_241 = tpu.memref_slice %arg2[%dma_wait3A_240] : memref<83886080xf32, #tpu.memory_space<hbm>> -> memref<83886080xf32, #tpu.memory_space<hbm>>
      tpu.wait_indirect_dma semaphore(%arg26 : memref<!tpu.dma_semaphore, #tpu.memory_space<semaphore_mem>>) src(%dma_wait3A_241 : memref<83886080xf32, #tpu.memory_space<hbm>>) dst(%dma_wait3A_237 : memref<128xf32, #tpu.memory_space<vmem>>)
      %dma_wait3A_242 = arith.constant 128 : i32
      %dma_wait3A_243 = tpu.memref_slice %arg18[%dma_wait3A_242] : memref<384xf32, #tpu.memory_space<vmem>> -> memref<128xf32, #tpu.memory_space<vmem>>
      %dma_wait3A_244 = arith.constant 128 : i32
      %dma_wait3A_245 = tpu.memref_slice %arg15[%dma_wait3A_244] : memref<384xi32, #tpu.memory_space<vmem>> -> memref<128xi32, #tpu.memory_space<vmem>>
      %dma_wait3A_246 = arith.constant 0 : i32
      %dma_wait3A_247 = tpu.memref_slice %arg3[%dma_wait3A_246] : memref<262144xf32, #tpu.memory_space<hbm>> -> memref<262144xf32, #tpu.memory_space<hbm>>
      tpu.wait_indirect_dma semaphore(%arg24 : memref<!tpu.dma_semaphore, #tpu.memory_space<semaphore_mem>>) src(%dma_wait3A_247 : memref<262144xf32, #tpu.memory_space<hbm>>) dst(%dma_wait3A_243 : memref<128xf32, #tpu.memory_space<vmem>>)
      %dma_wait3A_248 = arith.constant 128 : i32
      %dma_wait3A_249 = tpu.memref_slice %arg19[%dma_wait3A_248] : memref<384xf32, #tpu.memory_space<vmem>> -> memref<128xf32, #tpu.memory_space<vmem>>
      %dma_wait3A_250 = arith.constant 128 : i32
      %dma_wait3A_251 = tpu.memref_slice %arg16[%dma_wait3A_250] : memref<384xi32, #tpu.memory_space<vmem>> -> memref<128xi32, #tpu.memory_space<vmem>>
      %dma_wait3A_252 = arith.constant 0 : i32
      %dma_wait3A_253 = tpu.memref_slice %arg2[%dma_wait3A_252] : memref<83886080xf32, #tpu.memory_space<hbm>> -> memref<83886080xf32, #tpu.memory_space<hbm>>
      tpu.wait_indirect_dma semaphore(%arg25 : memref<!tpu.dma_semaphore, #tpu.memory_space<semaphore_mem>>) src(%dma_wait3A_253 : memref<83886080xf32, #tpu.memory_space<hbm>>) dst(%dma_wait3A_249 : memref<128xf32, #tpu.memory_space<vmem>>)
      %dma_wait3A_254 = arith.constant 128 : i32
      %dma_wait3A_255 = tpu.memref_slice %arg20[%dma_wait3A_254] : memref<384xf32, #tpu.memory_space<vmem>> -> memref<128xf32, #tpu.memory_space<vmem>>
      %dma_wait3A_256 = arith.constant 128 : i32
      %dma_wait3A_257 = tpu.memref_slice %arg17[%dma_wait3A_256] : memref<384xi32, #tpu.memory_space<vmem>> -> memref<128xi32, #tpu.memory_space<vmem>>
      %dma_wait3A_258 = arith.constant 0 : i32
      %dma_wait3A_259 = tpu.memref_slice %arg2[%dma_wait3A_258] : memref<83886080xf32, #tpu.memory_space<hbm>> -> memref<83886080xf32, #tpu.memory_space<hbm>>
      tpu.wait_indirect_dma semaphore(%arg26 : memref<!tpu.dma_semaphore, #tpu.memory_space<semaphore_mem>>) src(%dma_wait3A_259 : memref<83886080xf32, #tpu.memory_space<hbm>>) dst(%dma_wait3A_255 : memref<128xf32, #tpu.memory_space<vmem>>)
      %dma_wait3A_260 = arith.constant 256 : i32
      %dma_wait3A_261 = tpu.memref_slice %arg18[%dma_wait3A_260] : memref<384xf32, #tpu.memory_space<vmem>> -> memref<128xf32, #tpu.memory_space<vmem>>
      %dma_wait3A_262 = arith.constant 256 : i32
      %dma_wait3A_263 = tpu.memref_slice %arg15[%dma_wait3A_262] : memref<384xi32, #tpu.memory_space<vmem>> -> memref<128xi32, #tpu.memory_space<vmem>>
      %dma_wait3A_264 = arith.constant 0 : i32
      %dma_wait3A_265 = tpu.memref_slice %arg3[%dma_wait3A_264] : memref<262144xf32, #tpu.memory_space<hbm>> -> memref<262144xf32, #tpu.memory_space<hbm>>
      tpu.wait_indirect_dma semaphore(%arg24 : memref<!tpu.dma_semaphore, #tpu.memory_space<semaphore_mem>>) src(%dma_wait3A_265 : memref<262144xf32, #tpu.memory_space<hbm>>) dst(%dma_wait3A_261 : memref<128xf32, #tpu.memory_space<vmem>>)
      %dma_wait3A_266 = arith.constant 256 : i32
      %dma_wait3A_267 = tpu.memref_slice %arg19[%dma_wait3A_266] : memref<384xf32, #tpu.memory_space<vmem>> -> memref<128xf32, #tpu.memory_space<vmem>>
      %dma_wait3A_268 = arith.constant 256 : i32
      %dma_wait3A_269 = tpu.memref_slice %arg16[%dma_wait3A_268] : memref<384xi32, #tpu.memory_space<vmem>> -> memref<128xi32, #tpu.memory_space<vmem>>
      %dma_wait3A_270 = arith.constant 0 : i32
      %dma_wait3A_271 = tpu.memref_slice %arg2[%dma_wait3A_270] : memref<83886080xf32, #tpu.memory_space<hbm>> -> memref<83886080xf32, #tpu.memory_space<hbm>>
      tpu.wait_indirect_dma semaphore(%arg25 : memref<!tpu.dma_semaphore, #tpu.memory_space<semaphore_mem>>) src(%dma_wait3A_271 : memref<83886080xf32, #tpu.memory_space<hbm>>) dst(%dma_wait3A_267 : memref<128xf32, #tpu.memory_space<vmem>>)
      %dma_wait3A_272 = arith.constant 256 : i32
      %dma_wait3A_273 = tpu.memref_slice %arg20[%dma_wait3A_272] : memref<384xf32, #tpu.memory_space<vmem>> -> memref<128xf32, #tpu.memory_space<vmem>>
      %dma_wait3A_274 = arith.constant 256 : i32
      %dma_wait3A_275 = tpu.memref_slice %arg17[%dma_wait3A_274] : memref<384xi32, #tpu.memory_space<vmem>> -> memref<128xi32, #tpu.memory_space<vmem>>
      %dma_wait3A_276 = arith.constant 0 : i32
      %dma_wait3A_277 = tpu.memref_slice %arg2[%dma_wait3A_276] : memref<83886080xf32, #tpu.memory_space<hbm>> -> memref<83886080xf32, #tpu.memory_space<hbm>>
      tpu.wait_indirect_dma semaphore(%arg26 : memref<!tpu.dma_semaphore, #tpu.memory_space<semaphore_mem>>) src(%dma_wait3A_277 : memref<83886080xf32, #tpu.memory_space<hbm>>) dst(%dma_wait3A_273 : memref<128xf32, #tpu.memory_space<vmem>>)
      %scan3A_278 = arith.constant 0 : i32
      %scan3A_279 = arith.constant 0 : i32
      %scan3A_280 = arith.constant 24 : i32
      %scan3A_281 = arith.addi %scan3A_279, %scan3A_280 : i32
      %scan3A_282 = arith.constant 1 : i32
      %scan3A_283 = scf.for %scan3A_286 = %scan3A_279 to %scan3A_281 step %scan3A_282 iter_args(%scan3A_287 = %scan3A_278) -> (i32)  : i32 {
        %mul3A_288 = arith.constant 16 : i32
        %mul3A_289 = arith.muli %scan3A_286, %mul3A_288 : i32
        %add3A_290 = arith.addi %mul3A_162, %mul3A_289 : i32
        %mul3A_291 = arith.constant 16 : i32
        %mul3A_292 = arith.muli %scan3A_286, %mul3A_291 : i32
        %get3A = arith.index_cast %mul3A_292 : i32 to index
        %get3A_293 = tpu.vector_load %arg18[%get3A] {strides = array<i32>} : memref<384xf32, #tpu.memory_space<vmem>>, vector<16xf32>,
        %get3A_294 = arith.index_cast %add3A_290 : i32 to index
        %get3A_295 = tpu.vector_load %arg14[%get3A_294] {strides = array<i32>} : memref<12704xf32, #tpu.memory_space<vmem>>, vector<16xf32>,
        %add3A_296 = arith.addf %get3A_293, %get3A_295 : vector<16xf32>
        %mul3A_297 = arith.constant 16 : i32
        %mul3A_298 = arith.muli %scan3A_286, %mul3A_297 : i32
        %get3A_299 = arith.index_cast %mul3A_298 : i32 to index
        %get3A_300 = tpu.vector_load %arg19[%get3A_299] {strides = array<i32>} : memref<384xf32, #tpu.memory_space<vmem>>, vector<16xf32>,
        %mul3A_301 = arith.constant 16 : i32
        %mul3A_302 = arith.muli %scan3A_286, %mul3A_301 : i32
        %get3A_303 = arith.index_cast %mul3A_302 : i32 to index
        %get3A_304 = tpu.vector_load %arg20[%get3A_303] {strides = array<i32>} : memref<384xf32, #tpu.memory_space<vmem>>, vector<16xf32>,
        %max3A = arith.maximumf %add3A_296, %get3A_300 : vector<16xf32>
        %add3A_305 = arith.addf %max3A, %get3A_304 : vector<16xf32>
        %get3A_306 = arith.index_cast %add3A_290 : i32 to index
        %get3A_307 = tpu.vector_load %arg11[%get3A_306] {strides = array<i32>} : memref<12704xi32, #tpu.memory_space<vmem>>, vector<16xi32>,
        %add3A_308 = arith.constant 1 : i32
        %add3A_309 = arith.addi %add3A_290, %add3A_308 : i32
        %add3A_310 = vector.broadcast %add3A_309 : i32 to vector<16xi32>
        %add3A_311 = arith.addi %iota3A, %add3A_310 : vector<16xi32>
        %gather3A = tpu.vector_load_idx %arg11[%add3A_311] : memref<12704xi32, #tpu.memory_space<vmem>>[vector<16xi32>], vector<16xi32>,
        %ne3A_312 = arith.cmpi ne, %get3A_307, %gather3A : vector<16xi32>
        %ge3A = vector.broadcast %mul3A_2 : i32 to vector<16xi32>
        %ge3A_313 = arith.cmpi sge, %get3A_307, %ge3A : vector<16xi32>
        %and3A_314 = arith.andi %ne3A_312, %ge3A_313 : vector<16xi1>
        %lt3A = vector.broadcast %add3A_4 : i32 to vector<16xi32>
        %lt3A_315 = arith.cmpi slt, %get3A_307, %lt3A : vector<16xi32>
        %and3A_316 = arith.andi %and3A_314, %lt3A_315 : vector<16xi1>
        %sub3A_317 = vector.broadcast %mul3A_2 : i32 to vector<16xi32>
        %sub3A_318 = arith.subi %get3A_307, %sub3A_317 : vector<16xi32>
        %jit3A_319 = arith.constant 0 : i32
        %jit3A_320 = arith.constant 511 : i32
        %max3A_321 = vector.broadcast %jit3A_319 : i32 to vector<16xi32>
        %max3A_322 = arith.maxsi %max3A_321, %sub3A_318 : vector<16xi32>
        %min3A = vector.broadcast %jit3A_320 : i32 to vector<16xi32>
        %min3A_323 = arith.minsi %min3A, %max3A_322 : vector<16xi32>
        %get3A_324 = arith.index_cast %add3A_290 : i32 to index
        %get3A_325 = tpu.vector_load %arg13[%get3A_324] {strides = array<i32>} : memref<12704xi32, #tpu.memory_space<vmem>>, vector<16xi32>,
        tpu.vector_store_idx %arg21[%min3A_323], %add3A_305 masked %and3A_316 : memref<512xf32, #tpu.memory_space<vmem>>[vector<16xi32>], vector<16xf32>, vector<16xi1>
        tpu.vector_store_idx %arg22[%min3A_323], %get3A_325 masked %and3A_316 : memref<512xi32, #tpu.memory_space<vmem>>[vector<16xi32>], vector<16xi32>, vector<16xi1>
        tpu.vector_store_idx %arg23[%min3A_323], %broadcast_in_dim3A_24 masked %and3A_316 : memref<512xi32, #tpu.memory_space<vmem>>[vector<16xi32>], vector<16xi32>, vector<16xi1>
        %scan3A_326 = arith.constant 0 : i32
        scf.yield %scan3A_326 : i32
      }
      %scan3A_284 = arith.constant 24 : i32
      %while3A_285 = arith.constant 0 : i32
      scf.yield %while3A_285 : i32
    }
    %while3A_154 = arith.constant 1 : i32
    %while3A_155 = scf.for %while3A_156 = %while3A_151 to %while3A_147 step %while3A_154 iter_args(%while3A_157 = %while3A_153) -> (i32)  : i32 {
      %mul3A_158 = arith.constant 24 : i32
      %mul3A_159 = arith.muli %while3A_156, %mul3A_158 : i32
      %add3A_160 = arith.addi %select_n3A, %mul3A_159 : i32
      %mul3A_161 = arith.constant 16 : i32
      %mul3A_162 = arith.muli %add3A_160, %mul3A_161 : i32
      %scan3A_163 = arith.constant 0 : i32
      %scan3A_164 = arith.constant 0 : i32
      %scan3A_165 = arith.constant 24 : i32
      %scan3A_166 = arith.addi %scan3A_164, %scan3A_165 : i32
      %scan3A_167 = arith.constant 1 : i32
      %scan3A_168 = scf.for %scan3A_286 = %scan3A_164 to %scan3A_166 step %scan3A_167 iter_args(%scan3A_287 = %scan3A_163) -> (i32)  : i32 {
        %mul3A_288 = arith.constant 16 : i32
        %mul3A_289 = arith.muli %scan3A_286, %mul3A_288 : i32
        %add3A_290 = arith.addi %mul3A_162, %mul3A_289 : i32
        %get3A = arith.index_cast %add3A_290 : i32 to index
        %get3A_291 = tpu.vector_load %arg12[%get3A] {strides = array<i32>} : memref<12704xi32, #tpu.memory_space<vmem>>, vector<16xi32>,
        %get3A_292 = arith.index_cast %add3A_290 : i32 to index
        %get3A_293 = tpu.vector_load %arg13[%get3A_292] {strides = array<i32>} : memref<12704xi32, #tpu.memory_space<vmem>>, vector<16xi32>,
        %get3A_294 = arith.index_cast %add3A_290 : i32 to index
        %get3A_295 = tpu.vector_load %arg11[%get3A_294] {strides = array<i32>} : memref<12704xi32, #tpu.memory_space<vmem>>, vector<16xi32>,
        %shift_right_arithmetic3A = arith.constant 3 : i32
        %shift_right_arithmetic3A_296 = vector.broadcast %shift_right_arithmetic3A : i32 to vector<16xi32>
        %shift_right_arithmetic3A_297 = arith.shrsi %get3A_291, %shift_right_arithmetic3A_296 : vector<16xi32>
        %mul3A_298 = arith.constant 4096 : i32
        %mul3A_299 = vector.broadcast %mul3A_298 : i32 to vector<16xi32>
        %mul3A_300 = arith.muli %shift_right_arithmetic3A_297, %mul3A_299 : vector<16xi32>
        %shift_right_arithmetic3A_301 = arith.constant 7 : i32
        %shift_right_arithmetic3A_302 = vector.broadcast %shift_right_arithmetic3A_301 : i32 to vector<16xi32>
        %shift_right_arithmetic3A_303 = arith.shrsi %get3A_293, %shift_right_arithmetic3A_302 : vector<16xi32>
        %mul3A_304 = arith.constant 1024 : i32
        %mul3A_305 = vector.broadcast %mul3A_304 : i32 to vector<16xi32>
        %mul3A_306 = arith.muli %shift_right_arithmetic3A_303, %mul3A_305 : vector<16xi32>
        %add3A_307 = arith.addi %mul3A_300, %mul3A_306 : vector<16xi32>
        %and3A_308 = arith.constant 7 : i32
        %and3A_309 = vector.broadcast %and3A_308 : i32 to vector<16xi32>
        %and3A_310 = arith.andi %get3A_291, %and3A_309 : vector<16xi32>
        %mul3A_311 = arith.constant 128 : i32
        %mul3A_312 = vector.broadcast %mul3A_311 : i32 to vector<16xi32>
        %mul3A_313 = arith.muli %and3A_310, %mul3A_312 : vector<16xi32>
        %add3A_314 = arith.addi %add3A_307, %mul3A_313 : vector<16xi32>
        %and3A_315 = arith.constant 127 : i32
        %and3A_316 = vector.broadcast %and3A_315 : i32 to vector<16xi32>
        %and3A_317 = arith.andi %get3A_293, %and3A_316 : vector<16xi32>
        %add3A_318 = arith.addi %add3A_314, %and3A_317 : vector<16xi32>
        %mul3A_319 = arith.constant 16 : i32
        %mul3A_320 = arith.muli %scan3A_286, %mul3A_319 : i32
        %swap3A = arith.index_cast %mul3A_320 : i32 to index
        %swap3A_321 = tpu.vector_load %arg15[%swap3A] {strides = array<i32>} : memref<384xi32, #tpu.memory_space<vmem>>, vector<16xi32>,
        tpu.vector_store %arg15[%swap3A], %add3A_318 {strides = array<i32>} : memref<384xi32, #tpu.memory_space<vmem>>, vector<16xi32>,
        %max3A = arith.constant 0 : i32
        %max3A_322 = vector.broadcast %max3A : i32 to vector<16xi32>
        %max3A_323 = arith.maxsi %get3A_295, %max3A_322 : vector<16xi32>
        %shift_right_arithmetic3A_324 = arith.constant 3 : i32
        %shift_right_arithmetic3A_325 = vector.broadcast %shift_right_arithmetic3A_324 : i32 to vector<16xi32>
        %shift_right_arithmetic3A_326 = arith.shrsi %max3A_323, %shift_right_arithmetic3A_325 : vector<16xi32>
        %mul3A_327 = arith.constant 4096 : i32
        %mul3A_328 = vector.broadcast %mul3A_327 : i32 to vector<16xi32>
        %mul3A_329 = arith.muli %shift_right_arithmetic3A_326, %mul3A_328 : vector<16xi32>
        %shift_right_arithmetic3A_330 = arith.constant 7 : i32
        %shift_right_arithmetic3A_331 = vector.broadcast %shift_right_arithmetic3A_330 : i32 to vector<16xi32>
        %shift_right_arithmetic3A_332 = arith.shrsi %get3A_293, %shift_right_arithmetic3A_331 : vector<16xi32>
        %mul3A_333 = arith.constant 1024 : i32
        %mul3A_334 = vector.broadcast %mul3A_333 : i32 to vector<16xi32>
        %mul3A_335 = arith.muli %shift_right_arithmetic3A_332, %mul3A_334 : vector<16xi32>
        %add3A_336 = arith.addi %mul3A_329, %mul3A_335 : vector<16xi32>
        %and3A_337 = arith.constant 7 : i32
        %and3A_338 = vector.broadcast %and3A_337 : i32 to vector<16xi32>
        %and3A_339 = arith.andi %max3A_323, %and3A_338 : vector<16xi32>
        %mul3A_340 = arith.constant 128 : i32
        %mul3A_341 = vector.broadcast %mul3A_340 : i32 to vector<16xi32>
        %mul3A_342 = arith.muli %and3A_339, %mul3A_341 : vector<16xi32>
        %add3A_343 = arith.addi %add3A_336, %mul3A_342 : vector<16xi32>
        %and3A_344 = arith.constant 127 : i32
        %and3A_345 = vector.broadcast %and3A_344 : i32 to vector<16xi32>
        %and3A_346 = arith.andi %get3A_293, %and3A_345 : vector<16xi32>
        %add3A_347 = arith.addi %add3A_343, %and3A_346 : vector<16xi32>
        %add3A_348 = arith.constant 0 : i32
        %add3A_349 = vector.broadcast %add3A_348 : i32 to vector<16xi32>
        %add3A_350 = arith.addi %add3A_347, %add3A_349 : vector<16xi32>
        %mul3A_351 = arith.constant 16 : i32
        %mul3A_352 = arith.muli %scan3A_286, %mul3A_351 : i32
        %swap3A_353 = arith.index_cast %mul3A_352 : i32 to index
        %swap3A_354 = tpu.vector_load %arg16[%swap3A_353] {strides = array<i32>} : memref<384xi32, #tpu.memory_space<vmem>>, vector<16xi32>,
        tpu.vector_store %arg16[%swap3A_353], %add3A_350 {strides = array<i32>} : memref<384xi32, #tpu.memory_space<vmem>>, vector<16xi32>,
        %add3A_355 = arith.constant 16777216 : i32
        %add3A_356 = vector.broadcast %add3A_355 : i32 to vector<16xi32>
        %add3A_357 = arith.addi %add3A_347, %add3A_356 : vector<16xi32>
        %mul3A_358 = arith.constant 16 : i32
        %mul3A_359 = arith.muli %scan3A_286, %mul3A_358 : i32
        %swap3A_360 = arith.index_cast %mul3A_359 : i32 to index
        %swap3A_361 = tpu.vector_load %arg17[%swap3A_360] {strides = array<i32>} : memref<384xi32, #tpu.memory_space<vmem>>, vector<16xi32>,
        tpu.vector_store %arg17[%swap3A_360], %add3A_357 {strides = array<i32>} : memref<384xi32, #tpu.memory_space<vmem>>, vector<16xi32>,
        %scan3A_362 = arith.constant 0 : i32
        scf.yield %scan3A_362 : i32
      }
      %scan3A_169 = arith.constant 24 : i32
      %dma_start3A_170 = arith.constant 0 : i32
      %dma_start3A_171 = tpu.memref_slice %arg18[%dma_start3A_170] : memref<384xf32, #tpu.memory_space<vmem>> -> memref<128xf32, #tpu.memory_space<vmem>>
      %dma_start3A_172 = arith.constant 0 : i32
      %dma_start3A_173 = tpu.memref_slice %arg15[%dma_start3A_172] : memref<384xi32, #tpu.memory_space<vmem>> -> memref<128xi32, #tpu.memory_space<vmem>>
      %dma_start3A_174 = arith.constant 0 : i32
      %dma_start3A_175 = tpu.memref_slice %arg3[%dma_start3A_174] : memref<262144xf32, #tpu.memory_space<hbm>> -> memref<262144xf32, #tpu.memory_space<hbm>>
      tpu.enqueue_indirect_dma source(%dma_start3A_175 : memref<262144xf32, #tpu.memory_space<hbm>>) target(%dma_start3A_171 : memref<128xf32, #tpu.memory_space<vmem>>) offsets(%dma_start3A_173 : memref<128xi32, #tpu.memory_space<vmem>>) semaphore(%arg24 : memref<!tpu.dma_semaphore, #tpu.memory_space<semaphore_mem>>)
      %dma_start3A_176 = arith.constant 0 : i32
      %dma_start3A_177 = tpu.memref_slice %arg19[%dma_start3A_176] : memref<384xf32, #tpu.memory_space<vmem>> -> memref<128xf32, #tpu.memory_space<vmem>>
      %dma_start3A_178 = arith.constant 0 : i32
      %dma_start3A_179 = tpu.memref_slice %arg16[%dma_start3A_178] : memref<384xi32, #tpu.memory_space<vmem>> -> memref<128xi32, #tpu.memory_space<vmem>>
      %dma_start3A_180 = arith.constant 0 : i32
      %dma_start3A_181 = tpu.memref_slice %arg2[%dma_start3A_180] : memref<83886080xf32, #tpu.memory_space<hbm>> -> memref<83886080xf32, #tpu.memory_space<hbm>>
      tpu.enqueue_indirect_dma source(%dma_start3A_181 : memref<83886080xf32, #tpu.memory_space<hbm>>) target(%dma_start3A_177 : memref<128xf32, #tpu.memory_space<vmem>>) offsets(%dma_start3A_179 : memref<128xi32, #tpu.memory_space<vmem>>) semaphore(%arg25 : memref<!tpu.dma_semaphore, #tpu.memory_space<semaphore_mem>>)
      %dma_start3A_182 = arith.constant 0 : i32
      %dma_start3A_183 = tpu.memref_slice %arg20[%dma_start3A_182] : memref<384xf32, #tpu.memory_space<vmem>> -> memref<128xf32, #tpu.memory_space<vmem>>
      %dma_start3A_184 = arith.constant 0 : i32
      %dma_start3A_185 = tpu.memref_slice %arg17[%dma_start3A_184] : memref<384xi32, #tpu.memory_space<vmem>> -> memref<128xi32, #tpu.memory_space<vmem>>
      %dma_start3A_186 = arith.constant 0 : i32
      %dma_start3A_187 = tpu.memref_slice %arg2[%dma_start3A_186] : memref<83886080xf32, #tpu.memory_space<hbm>> -> memref<83886080xf32, #tpu.memory_space<hbm>>
      tpu.enqueue_indirect_dma source(%dma_start3A_187 : memref<83886080xf32, #tpu.memory_space<hbm>>) target(%dma_start3A_183 : memref<128xf32, #tpu.memory_space<vmem>>) offsets(%dma_start3A_185 : memref<128xi32, #tpu.memory_space<vmem>>) semaphore(%arg26 : memref<!tpu.dma_semaphore, #tpu.memory_space<semaphore_mem>>)
      %dma_start3A_188 = arith.constant 128 : i32
      %dma_start3A_189 = tpu.memref_slice %arg18[%dma_start3A_188] : memref<384xf32, #tpu.memory_space<vmem>> -> memref<128xf32, #tpu.memory_space<vmem>>
      %dma_start3A_190 = arith.constant 128 : i32
      %dma_start3A_191 = tpu.memref_slice %arg15[%dma_start3A_190] : memref<384xi32, #tpu.memory_space<vmem>> -> memref<128xi32, #tpu.memory_space<vmem>>
      %dma_start3A_192 = arith.constant 0 : i32
      %dma_start3A_193 = tpu.memref_slice %arg3[%dma_start3A_192] : memref<262144xf32, #tpu.memory_space<hbm>> -> memref<262144xf32, #tpu.memory_space<hbm>>
      tpu.enqueue_indirect_dma source(%dma_start3A_193 : memref<262144xf32, #tpu.memory_space<hbm>>) target(%dma_start3A_189 : memref<128xf32, #tpu.memory_space<vmem>>) offsets(%dma_start3A_191 : memref<128xi32, #tpu.memory_space<vmem>>) semaphore(%arg24 : memref<!tpu.dma_semaphore, #tpu.memory_space<semaphore_mem>>)
      %dma_start3A_194 = arith.constant 128 : i32
      %dma_start3A_195 = tpu.memref_slice %arg19[%dma_start3A_194] : memref<384xf32, #tpu.memory_space<vmem>> -> memref<128xf32, #tpu.memory_space<vmem>>
      %dma_start3A_196 = arith.constant 128 : i32
      %dma_start3A_197 = tpu.memref_slice %arg16[%dma_start3A_196] : memref<384xi32, #tpu.memory_space<vmem>> -> memref<128xi32, #tpu.memory_space<vmem>>
      %dma_start3A_198 = arith.constant 0 : i32
      %dma_start3A_199 = tpu.memref_slice %arg2[%dma_start3A_198] : memref<83886080xf32, #tpu.memory_space<hbm>> -> memref<83886080xf32, #tpu.memory_space<hbm>>
      tpu.enqueue_indirect_dma source(%dma_start3A_199 : memref<83886080xf32, #tpu.memory_space<hbm>>) target(%dma_start3A_195 : memref<128xf32, #tpu.memory_space<vmem>>) offsets(%dma_start3A_197 : memref<128xi32, #tpu.memory_space<vmem>>) semaphore(%arg25 : memref<!tpu.dma_semaphore, #tpu.memory_space<semaphore_mem>>)
      %dma_start3A_200 = arith.constant 128 : i32
      %dma_start3A_201 = tpu.memref_slice %arg20[%dma_start3A_200] : memref<384xf32, #tpu.memory_space<vmem>> -> memref<128xf32, #tpu.memory_space<vmem>>
      %dma_start3A_202 = arith.constant 128 : i32
      %dma_start3A_203 = tpu.memref_slice %arg17[%dma_start3A_202] : memref<384xi32, #tpu.memory_space<vmem>> -> memref<128xi32, #tpu.memory_space<vmem>>
      %dma_start3A_204 = arith.constant 0 : i32
      %dma_start3A_205 = tpu.memref_slice %arg2[%dma_start3A_204] : memref<83886080xf32, #tpu.memory_space<hbm>> -> memref<83886080xf32, #tpu.memory_space<hbm>>
      tpu.enqueue_indirect_dma source(%dma_start3A_205 : memref<83886080xf32, #tpu.memory_space<hbm>>) target(%dma_start3A_201 : memref<128xf32, #tpu.memory_space<vmem>>) offsets(%dma_start3A_203 : memref<128xi32, #tpu.memory_space<vmem>>) semaphore(%arg26 : memref<!tpu.dma_semaphore, #tpu.memory_space<semaphore_mem>>)
      %dma_start3A_206 = arith.constant 256 : i32
      %dma_start3A_207 = tpu.memref_slice %arg18[%dma_start3A_206] : memref<384xf32, #tpu.memory_space<vmem>> -> memref<128xf32, #tpu.memory_space<vmem>>
      %dma_start3A_208 = arith.constant 256 : i32
      %dma_start3A_209 = tpu.memref_slice %arg15[%dma_start3A_208] : memref<384xi32, #tpu.memory_space<vmem>> -> memref<128xi32, #tpu.memory_space<vmem>>
      %dma_start3A_210 = arith.constant 0 : i32
      %dma_start3A_211 = tpu.memref_slice %arg3[%dma_start3A_210] : memref<262144xf32, #tpu.memory_space<hbm>> -> memref<262144xf32, #tpu.memory_space<hbm>>
      tpu.enqueue_indirect_dma source(%dma_start3A_211 : memref<262144xf32, #tpu.memory_space<hbm>>) target(%dma_start3A_207 : memref<128xf32, #tpu.memory_space<vmem>>) offsets(%dma_start3A_209 : memref<128xi32, #tpu.memory_space<vmem>>) semaphore(%arg24 : memref<!tpu.dma_semaphore, #tpu.memory_space<semaphore_mem>>)
      %dma_start3A_212 = arith.constant 256 : i32
      %dma_start3A_213 = tpu.memref_slice %arg19[%dma_start3A_212] : memref<384xf32, #tpu.memory_space<vmem>> -> memref<128xf32, #tpu.memory_space<vmem>>
      %dma_start3A_214 = arith.constant 256 : i32
      %dma_start3A_215 = tpu.memref_slice %arg16[%dma_start3A_214] : memref<384xi32, #tpu.memory_space<vmem>> -> memref<128xi32, #tpu.memory_space<vmem>>
      %dma_start3A_216 = arith.constant 0 : i32
      %dma_start3A_217 = tpu.memref_slice %arg2[%dma_start3A_216] : memref<83886080xf32, #tpu.memory_space<hbm>> -> memref<83886080xf32, #tpu.memory_space<hbm>>
      tpu.enqueue_indirect_dma source(%dma_start3A_217 : memref<83886080xf32, #tpu.memory_space<hbm>>) target(%dma_start3A_213 : memref<128xf32, #tpu.memory_space<vmem>>) offsets(%dma_start3A_215 : memref<128xi32, #tpu.memory_space<vmem>>) semaphore(%arg25 : memref<!tpu.dma_semaphore, #tpu.memory_space<semaphore_mem>>)
      %dma_start3A_218 = arith.constant 256 : i32
      %dma_start3A_219 = tpu.memref_slice %arg20[%dma_start3A_218] : memref<384xf32, #tpu.memory_space<vmem>> -> memref<128xf32, #tpu.memory_space<vmem>>
      %dma_start3A_220 = arith.constant 256 : i32
      %dma_start3A_221 = tpu.memref_slice %arg17[%dma_start3A_220] : memref<384xi32, #tpu.memory_space<vmem>> -> memref<128xi32, #tpu.memory_space<vmem>>
      %dma_start3A_222 = arith.constant 0 : i32
      %dma_start3A_223 = tpu.memref_slice %arg2[%dma_start3A_222] : memref<83886080xf32, #tpu.memory_space<hbm>> -> memref<83886080xf32, #tpu.memory_space<hbm>>
      tpu.enqueue_indirect_dma source(%dma_start3A_223 : memref<83886080xf32, #tpu.memory_space<hbm>>) target(%dma_start3A_219 : memref<128xf32, #tpu.memory_space<vmem>>) offsets(%dma_start3A_221 : memref<128xi32, #tpu.memory_space<vmem>>) semaphore(%arg26 : memref<!tpu.dma_semaphore, #tpu.memory_space<semaphore_mem>>)
      %dma_wait3A_224 = arith.constant 0 : i32
      %dma_wait3A_225 = tpu.memref_slice %arg18[%dma_wait3A_224] : memref<384xf32, #tpu.memory_space<vmem>> -> memref<128xf32, #tpu.memory_space<vmem>>
      %dma_wait3A_226 = arith.constant 0 : i32
      %dma_wait3A_227 = tpu.memref_slice %arg15[%dma_wait3A_226] : memref<384xi32, #tpu.memory_space<vmem>> -> memref<128xi32, #tpu.memory_space<vmem>>
      %dma_wait3A_228 = arith.constant 0 : i32
      %dma_wait3A_229 = tpu.memref_slice %arg3[%dma_wait3A_228] : memref<262144xf32, #tpu.memory_space<hbm>> -> memref<262144xf32, #tpu.memory_space<hbm>>
      tpu.wait_indirect_dma semaphore(%arg24 : memref<!tpu.dma_semaphore, #tpu.memory_space<semaphore_mem>>) src(%dma_wait3A_229 : memref<262144xf32, #tpu.memory_space<hbm>>) dst(%dma_wait3A_225 : memref<128xf32, #tpu.memory_space<vmem>>)
      %dma_wait3A_230 = arith.constant 0 : i32
      %dma_wait3A_231 = tpu.memref_slice %arg19[%dma_wait3A_230] : memref<384xf32, #tpu.memory_space<vmem>> -> memref<128xf32, #tpu.memory_space<vmem>>
      %dma_wait3A_232 = arith.constant 0 : i32
      %dma_wait3A_233 = tpu.memref_slice %arg16[%dma_wait3A_232] : memref<384xi32, #tpu.memory_space<vmem>> -> memref<128xi32, #tpu.memory_space<vmem>>
      %dma_wait3A_234 = arith.constant 0 : i32
      %dma_wait3A_235 = tpu.memref_slice %arg2[%dma_wait3A_234] : memref<83886080xf32, #tpu.memory_space<hbm>> -> memref<83886080xf32, #tpu.memory_space<hbm>>
      tpu.wait_indirect_dma semaphore(%arg25 : memref<!tpu.dma_semaphore, #tpu.memory_space<semaphore_mem>>) src(%dma_wait3A_235 : memref<83886080xf32, #tpu.memory_space<hbm>>) dst(%dma_wait3A_231 : memref<128xf32, #tpu.memory_space<vmem>>)
      %dma_wait3A_236 = arith.constant 0 : i32
      %dma_wait3A_237 = tpu.memref_slice %arg20[%dma_wait3A_236] : memref<384xf32, #tpu.memory_space<vmem>> -> memref<128xf32, #tpu.memory_space<vmem>>
      %dma_wait3A_238 = arith.constant 0 : i32
      %dma_wait3A_239 = tpu.memref_slice %arg17[%dma_wait3A_238] : memref<384xi32, #tpu.memory_space<vmem>> -> memref<128xi32, #tpu.memory_space<vmem>>
      %dma_wait3A_240 = arith.constant 0 : i32
      %dma_wait3A_241 = tpu.memref_slice %arg2[%dma_wait3A_240] : memref<83886080xf32, #tpu.memory_space<hbm>> -> memref<83886080xf32, #tpu.memory_space<hbm>>
      tpu.wait_indirect_dma semaphore(%arg26 : memref<!tpu.dma_semaphore, #tpu.memory_space<semaphore_mem>>) src(%dma_wait3A_241 : memref<83886080xf32, #tpu.memory_space<hbm>>) dst(%dma_wait3A_237 : memref<128xf32, #tpu.memory_space<vmem>>)
      %dma_wait3A_242 = arith.constant 128 : i32
      %dma_wait3A_243 = tpu.memref_slice %arg18[%dma_wait3A_242] : memref<384xf32, #tpu.memory_space<vmem>> -> memref<128xf32, #tpu.memory_space<vmem>>
      %dma_wait3A_244 = arith.constant 128 : i32
      %dma_wait3A_245 = tpu.memref_slice %arg15[%dma_wait3A_244] : memref<384xi32, #tpu.memory_space<vmem>> -> memref<128xi32, #tpu.memory_space<vmem>>
      %dma_wait3A_246 = arith.constant 0 : i32
      %dma_wait3A_247 = tpu.memref_slice %arg3[%dma_wait3A_246] : memref<262144xf32, #tpu.memory_space<hbm>> -> memref<262144xf32, #tpu.memory_space<hbm>>
      tpu.wait_indirect_dma semaphore(%arg24 : memref<!tpu.dma_semaphore, #tpu.memory_space<semaphore_mem>>) src(%dma_wait3A_247 : memref<262144xf32, #tpu.memory_space<hbm>>) dst(%dma_wait3A_243 : memref<128xf32, #tpu.memory_space<vmem>>)
      %dma_wait3A_248 = arith.constant 128 : i32
      %dma_wait3A_249 = tpu.memref_slice %arg19[%dma_wait3A_248] : memref<384xf32, #tpu.memory_space<vmem>> -> memref<128xf32, #tpu.memory_space<vmem>>
      %dma_wait3A_250 = arith.constant 128 : i32
      %dma_wait3A_251 = tpu.memref_slice %arg16[%dma_wait3A_250] : memref<384xi32, #tpu.memory_space<vmem>> -> memref<128xi32, #tpu.memory_space<vmem>>
      %dma_wait3A_252 = arith.constant 0 : i32
      %dma_wait3A_253 = tpu.memref_slice %arg2[%dma_wait3A_252] : memref<83886080xf32, #tpu.memory_space<hbm>> -> memref<83886080xf32, #tpu.memory_space<hbm>>
      tpu.wait_indirect_dma semaphore(%arg25 : memref<!tpu.dma_semaphore, #tpu.memory_space<semaphore_mem>>) src(%dma_wait3A_253 : memref<83886080xf32, #tpu.memory_space<hbm>>) dst(%dma_wait3A_249 : memref<128xf32, #tpu.memory_space<vmem>>)
      %dma_wait3A_254 = arith.constant 128 : i32
      %dma_wait3A_255 = tpu.memref_slice %arg20[%dma_wait3A_254] : memref<384xf32, #tpu.memory_space<vmem>> -> memref<128xf32, #tpu.memory_space<vmem>>
      %dma_wait3A_256 = arith.constant 128 : i32
      %dma_wait3A_257 = tpu.memref_slice %arg17[%dma_wait3A_256] : memref<384xi32, #tpu.memory_space<vmem>> -> memref<128xi32, #tpu.memory_space<vmem>>
      %dma_wait3A_258 = arith.constant 0 : i32
      %dma_wait3A_259 = tpu.memref_slice %arg2[%dma_wait3A_258] : memref<83886080xf32, #tpu.memory_space<hbm>> -> memref<83886080xf32, #tpu.memory_space<hbm>>
      tpu.wait_indirect_dma semaphore(%arg26 : memref<!tpu.dma_semaphore, #tpu.memory_space<semaphore_mem>>) src(%dma_wait3A_259 : memref<83886080xf32, #tpu.memory_space<hbm>>) dst(%dma_wait3A_255 : memref<128xf32, #tpu.memory_space<vmem>>)
      %dma_wait3A_260 = arith.constant 256 : i32
      %dma_wait3A_261 = tpu.memref_slice %arg18[%dma_wait3A_260] : memref<384xf32, #tpu.memory_space<vmem>> -> memref<128xf32, #tpu.memory_space<vmem>>
      %dma_wait3A_262 = arith.constant 256 : i32
      %dma_wait3A_263 = tpu.memref_slice %arg15[%dma_wait3A_262] : memref<384xi32, #tpu.memory_space<vmem>> -> memref<128xi32, #tpu.memory_space<vmem>>
      %dma_wait3A_264 = arith.constant 0 : i32
      %dma_wait3A_265 = tpu.memref_slice %arg3[%dma_wait3A_264] : memref<262144xf32, #tpu.memory_space<hbm>> -> memref<262144xf32, #tpu.memory_space<hbm>>
      tpu.wait_indirect_dma semaphore(%arg24 : memref<!tpu.dma_semaphore, #tpu.memory_space<semaphore_mem>>) src(%dma_wait3A_265 : memref<262144xf32, #tpu.memory_space<hbm>>) dst(%dma_wait3A_261 : memref<128xf32, #tpu.memory_space<vmem>>)
      %dma_wait3A_266 = arith.constant 256 : i32
      %dma_wait3A_267 = tpu.memref_slice %arg19[%dma_wait3A_266] : memref<384xf32, #tpu.memory_space<vmem>> -> memref<128xf32, #tpu.memory_space<vmem>>
      %dma_wait3A_268 = arith.constant 256 : i32
      %dma_wait3A_269 = tpu.memref_slice %arg16[%dma_wait3A_268] : memref<384xi32, #tpu.memory_space<vmem>> -> memref<128xi32, #tpu.memory_space<vmem>>
      %dma_wait3A_270 = arith.constant 0 : i32
      %dma_wait3A_271 = tpu.memref_slice %arg2[%dma_wait3A_270] : memref<83886080xf32, #tpu.memory_space<hbm>> -> memref<83886080xf32, #tpu.memory_space<hbm>>
      tpu.wait_indirect_dma semaphore(%arg25 : memref<!tpu.dma_semaphore, #tpu.memory_space<semaphore_mem>>) src(%dma_wait3A_271 : memref<83886080xf32, #tpu.memory_space<hbm>>) dst(%dma_wait3A_267 : memref<128xf32, #tpu.memory_space<vmem>>)
      %dma_wait3A_272 = arith.constant 256 : i32
      %dma_wait3A_273 = tpu.memref_slice %arg20[%dma_wait3A_272] : memref<384xf32, #tpu.memory_space<vmem>> -> memref<128xf32, #tpu.memory_space<vmem>>
      %dma_wait3A_274 = arith.constant 256 : i32
      %dma_wait3A_275 = tpu.memref_slice %arg17[%dma_wait3A_274] : memref<384xi32, #tpu.memory_space<vmem>> -> memref<128xi32, #tpu.memory_space<vmem>>
      %dma_wait3A_276 = arith.constant 0 : i32
      %dma_wait3A_277 = tpu.memref_slice %arg2[%dma_wait3A_276] : memref<83886080xf32, #tpu.memory_space<hbm>> -> memref<83886080xf32, #tpu.memory_space<hbm>>
      tpu.wait_indirect_dma semaphore(%arg26 : memref<!tpu.dma_semaphore, #tpu.memory_space<semaphore_mem>>) src(%dma_wait3A_277 : memref<83886080xf32, #tpu.memory_space<hbm>>) dst(%dma_wait3A_273 : memref<128xf32, #tpu.memory_space<vmem>>)
      %scan3A_278 = arith.constant 0 : i32
      %scan3A_279 = arith.constant 0 : i32
      %scan3A_280 = arith.constant 24 : i32
      %scan3A_281 = arith.addi %scan3A_279, %scan3A_280 : i32
      %scan3A_282 = arith.constant 1 : i32
      %scan3A_283 = scf.for %scan3A_286 = %scan3A_279 to %scan3A_281 step %scan3A_282 iter_args(%scan3A_287 = %scan3A_278) -> (i32)  : i32 {
        %mul3A_288 = arith.constant 16 : i32
        %mul3A_289 = arith.muli %scan3A_286, %mul3A_288 : i32
        %add3A_290 = arith.addi %mul3A_162, %mul3A_289 : i32
        %mul3A_291 = arith.constant 16 : i32
        %mul3A_292 = arith.muli %scan3A_286, %mul3A_291 : i32
        %get3A = arith.index_cast %mul3A_292 : i32 to index
        %get3A_293 = tpu.vector_load %arg18[%get3A] {strides = array<i32>} : memref<384xf32, #tpu.memory_space<vmem>>, vector<16xf32>,
        %get3A_294 = arith.index_cast %add3A_290 : i32 to index
        %get3A_295 = tpu.vector_load %arg14[%get3A_294] {strides = array<i32>} : memref<12704xf32, #tpu.memory_space<vmem>>, vector<16xf32>,
        %add3A_296 = arith.addf %get3A_293, %get3A_295 : vector<16xf32>
        %mul3A_297 = arith.constant 16 : i32
        %mul3A_298 = arith.muli %scan3A_286, %mul3A_297 : i32
        %get3A_299 = arith.index_cast %mul3A_298 : i32 to index
        %get3A_300 = tpu.vector_load %arg19[%get3A_299] {strides = array<i32>} : memref<384xf32, #tpu.memory_space<vmem>>, vector<16xf32>,
        %mul3A_301 = arith.constant 16 : i32
        %mul3A_302 = arith.muli %scan3A_286, %mul3A_301 : i32
        %get3A_303 = arith.index_cast %mul3A_302 : i32 to index
        %get3A_304 = tpu.vector_load %arg20[%get3A_303] {strides = array<i32>} : memref<384xf32, #tpu.memory_space<vmem>>, vector<16xf32>,
        %max3A = arith.maximumf %add3A_296, %get3A_300 : vector<16xf32>
        %add3A_305 = arith.addf %max3A, %get3A_304 : vector<16xf32>
        %get3A_306 = arith.index_cast %add3A_290 : i32 to index
        %get3A_307 = tpu.vector_load %arg11[%get3A_306] {strides = array<i32>} : memref<12704xi32, #tpu.memory_space<vmem>>, vector<16xi32>,
        %add3A_308 = arith.constant 1 : i32
        %add3A_309 = arith.addi %add3A_290, %add3A_308 : i32
        %add3A_310 = vector.broadcast %add3A_309 : i32 to vector<16xi32>
        %add3A_311 = arith.addi %iota3A, %add3A_310 : vector<16xi32>
        %gather3A = tpu.vector_load_idx %arg11[%add3A_311] : memref<12704xi32, #tpu.memory_space<vmem>>[vector<16xi32>], vector<16xi32>,
        %ne3A_312 = arith.cmpi ne, %get3A_307, %gather3A : vector<16xi32>
        %ge3A = vector.broadcast %mul3A_2 : i32 to vector<16xi32>
        %ge3A_313 = arith.cmpi sge, %get3A_307, %ge3A : vector<16xi32>
        %and3A_314 = arith.andi %ne3A_312, %ge3A_313 : vector<16xi1>
        %lt3A = vector.broadcast %add3A_4 : i32 to vector<16xi32>
        %lt3A_315 = arith.cmpi slt, %get3A_307, %lt3A : vector<16xi32>
        %and3A_316 = arith.andi %and3A_314, %lt3A_315 : vector<16xi1>
        %sub3A_317 = vector.broadcast %mul3A_2 : i32 to vector<16xi32>
        %sub3A_318 = arith.subi %get3A_307, %sub3A_317 : vector<16xi32>
        %jit3A_319 = arith.constant 0 : i32
        %jit3A_320 = arith.constant 511 : i32
        %max3A_321 = vector.broadcast %jit3A_319 : i32 to vector<16xi32>
        %max3A_322 = arith.maxsi %max3A_321, %sub3A_318 : vector<16xi32>
        %min3A = vector.broadcast %jit3A_320 : i32 to vector<16xi32>
        %min3A_323 = arith.minsi %min3A, %max3A_322 : vector<16xi32>
        %get3A_324 = arith.index_cast %add3A_290 : i32 to index
        %get3A_325 = tpu.vector_load %arg13[%get3A_324] {strides = array<i32>} : memref<12704xi32, #tpu.memory_space<vmem>>, vector<16xi32>,
        tpu.vector_store_idx %arg21[%min3A_323], %add3A_305 masked %and3A_316 : memref<512xf32, #tpu.memory_space<vmem>>[vector<16xi32>], vector<16xf32>, vector<16xi1>
        tpu.vector_store_idx %arg22[%min3A_323], %get3A_325 masked %and3A_316 : memref<512xi32, #tpu.memory_space<vmem>>[vector<16xi32>], vector<16xi32>, vector<16xi1>
        tpu.vector_store_idx %arg23[%min3A_323], %broadcast_in_dim3A_24 masked %and3A_316 : memref<512xi32, #tpu.memory_space<vmem>>[vector<16xi32>], vector<16xi32>, vector<16xi1>
        %scan3A_326 = arith.constant 0 : i32
        scf.yield %scan3A_326 : i32
      }
      %scan3A_284 = arith.constant 24 : i32
      %while3A_285 = arith.constant 0 : i32
      scf.yield %while3A_285 : i32
    }
    "tpu.region"() ({
      %run_scoped3A = tpu.sem_alloc : memref<!tpu.dma_semaphore, #tpu.memory_space<semaphore_mem>>
      %dma_start3A_156 = tpu.memref_slice %arg8[%mul3A_2] : memref<16384xf32, #tpu.memory_space<hbm>> -> memref<512xf32, #tpu.memory_space<hbm>>
      %dma_start3A_157 = tpu.memref_slice %arg8[%mul3A_2] : memref<16384xf32, #tpu.memory_space<hbm>> -> memref<512xf32, #tpu.memory_space<hbm>>
      tpu.enqueue_dma source(%arg21 : memref<512xf32, #tpu.memory_space<vmem>>) target(%dma_start3A_157 : memref<512xf32, #tpu.memory_space<hbm>>) target_semaphore(%run_scoped3A : memref<!tpu.dma_semaphore, #tpu.memory_space<semaphore_mem>>)
      %dma_wait3A_158 = tpu.memref_slice %arg8[%mul3A_2] : memref<16384xf32, #tpu.memory_space<hbm>> -> memref<512xf32, #tpu.memory_space<hbm>>
      %dma_wait3A_159 = tpu.memref_slice %arg8[%mul3A_2] : memref<16384xf32, #tpu.memory_space<hbm>> -> memref<512xf32, #tpu.memory_space<hbm>>
      tpu.wait_dma2 semaphore(%run_scoped3A : memref<!tpu.dma_semaphore, #tpu.memory_space<semaphore_mem>>) src(%arg21 : memref<512xf32, #tpu.memory_space<vmem>>) dst(%dma_wait3A_159 : memref<512xf32, #tpu.memory_space<hbm>>)
      tpu.yield
    }) : () -> ()
    "tpu.region"() ({
      %run_scoped3A = tpu.sem_alloc : memref<!tpu.dma_semaphore, #tpu.memory_space<semaphore_mem>>
      %dma_start3A_156 = tpu.memref_slice %arg9[%mul3A_2] : memref<16384xi32, #tpu.memory_space<hbm>> -> memref<512xi32, #tpu.memory_space<hbm>>
      %dma_start3A_157 = tpu.memref_slice %arg9[%mul3A_2] : memref<16384xi32, #tpu.memory_space<hbm>> -> memref<512xi32, #tpu.memory_space<hbm>>
      tpu.enqueue_dma source(%arg22 : memref<512xi32, #tpu.memory_space<vmem>>) target(%dma_start3A_157 : memref<512xi32, #tpu.memory_space<hbm>>) target_semaphore(%run_scoped3A : memref<!tpu.dma_semaphore, #tpu.memory_space<semaphore_mem>>)
      %dma_wait3A_158 = tpu.memref_slice %arg9[%mul3A_2] : memref<16384xi32, #tpu.memory_space<hbm>> -> memref<512xi32, #tpu.memory_space<hbm>>
      %dma_wait3A_159 = tpu.memref_slice %arg9[%mul3A_2] : memref<16384xi32, #tpu.memory_space<hbm>> -> memref<512xi32, #tpu.memory_space<hbm>>
      tpu.wait_dma2 semaphore(%run_scoped3A : memref<!tpu.dma_semaphore, #tpu.memory_space<semaphore_mem>>) src(%arg22 : memref<512xi32, #tpu.memory_space<vmem>>) dst(%dma_wait3A_159 : memref<512xi32, #tpu.memory_space<hbm>>)
      tpu.yield
    }) : () -> ()
    "tpu.region"() ({
      %run_scoped3A = tpu.sem_alloc : memref<!tpu.dma_semaphore, #tpu.memory_space<semaphore_mem>>
      %dma_start3A_156 = tpu.memref_slice %arg10[%mul3A_2] : memref<16384xi32, #tpu.memory_space<hbm>> -> memref<512xi32, #tpu.memory_space<hbm>>
      %dma_start3A_157 = tpu.memref_slice %arg10[%mul3A_2] : memref<16384xi32, #tpu.memory_space<hbm>> -> memref<512xi32, #tpu.memory_space<hbm>>
      tpu.enqueue_dma source(%arg23 : memref<512xi32, #tpu.memory_space<vmem>>) target(%dma_start3A_157 : memref<512xi32, #tpu.memory_space<hbm>>) target_semaphore(%run_scoped3A : memref<!tpu.dma_semaphore, #tpu.memory_space<semaphore_mem>>)
      %dma_wait3A_158 = tpu.memref_slice %arg10[%mul3A_2] : memref<16384xi32, #tpu.memory_space<hbm>> -> memref<512xi32, #tpu.memory_space<hbm>>
      %dma_wait3A_159 = tpu.memref_slice %arg10[%mul3A_2] : memref<16384xi32, #tpu.memory_space<hbm>> -> memref<512xi32, #tpu.memory_space<hbm>>
      tpu.wait_dma2 semaphore(%run_scoped3A : memref<!tpu.dma_semaphore, #tpu.memory_space<semaphore_mem>>) src(%arg23 : memref<512xi32, #tpu.memory_space<vmem>>) dst(%dma_wait3A_159 : memref<512xi32, #tpu.memory_space<hbm>>)
      tpu.yield
    }) : () -> ()
    return
  }
}

</mosaic_0001>

<sc_bundles>
// kernel: kernel.3.cloned.1.call-start
scs
__scs_entry_jumppad:
0x0: {  	(pc) =	sbr.rel $0x88, $3  }
0x1: {  	(tag) =	ssettag $0x0;
	lr =	simm.s32 $0x1  }
0x2: {  	[smem:$0x3F9B] =	sst lr;
	_ =	strace $0xD0000000  }
0x3: {  	_ = 	snop  }
0x4: {  	_ = 	snop  }
0x5: {  	_ = 	snop  }
0x6: {  	_ = 	snop  }
0x7: {  	_ = 	snop  }
__scs_overlays_trampoline_lowered:
0x8: {  	[smem:$0x3FAA] =	sst s0  }
0x9: {  	[smem:$0x3FAB] =	sst s1  }
0xa: {  	[smem:$0x3FAC] =	sst s2  }
0xb: {  	[smem:$0x3FAD] =	sst s3  }
0xc: {  	[smem:$0x3FAE] =	sst s4  }
0xd: {  	[smem:$0x3FAF] =	sst s5  }
0xe: {  	[smem:$0x3FB0] =	sst s6  }
0xf: {  	[smem:$0x3FB1] =	sst s7  }
0x10: {  	[smem:$0x3FB2] =	sst s8  }
0x11: {  	[smem:$0x3FB3] =	sst s9;
	s0 =	simm.s32 @!p0 $0x0  }
0x12: {  	s1 =	sld [smem:$0x3F99];
	s0 =	simm.s32 @p0 $0x1  }
0x13: {  	[smem:$0x3FB4] =	sst s0;
	s0 =	simm.s32 @!p1 $0x0  }
0x14: {  	s2 =	sld [smem:$0x3F98];
	s0 =	simm.s32 @p1 $0x1  }
0x15: {  	[smem:$0x3FB5] =	sst s0;
	s0 =	simm.s32 @!p2 $0x0  }
0x16: {  	s3 =	sld [smem:$0x3FDB];
	s0 =	simm.s32 @p2 $0x1  }
0x17: {  	s4 =	simm.s32 $0x1BF5;
	[smem:$0x3FB7] =	sst s0  }
0x18: {  	s0 =	sld [smem:$0x3F9A];
	_ =	swait.ge [sflag:s4], $0x0  }
0x19: {  	s7 =	sld [smem:$0x3F9B]  }
0x1a: {  	s8 =	sadd.s32 $0xFFFFE003, lr  }
0x1b: {  	s9 =	sadd.s32 $0xFFFFFEF7, lr;
	s5 =	simm.s32 $0xFFFFFFFF;
	p2 =	slt.u32 s8, $0xFFFFF086  }
0x1c: {  	p1 =	slt.u32 s9, $0xF7A;
	s5 =	simm.s32 @!p2 $0x0  }
0x1d: {  	s5 =	simm.s32 @p1 $0x1;
	p0 =	seq.s32 s7, s2  }
0x1e: {  	s7 =	smul.u32 @!p0 $0xF7A, s2;
	p2 =	seq.s32 @!p0 s5, $0x0  }
0x1f: {  	s9 =	smul.u32 $0xF7A, s1;
	s8 =	simm.s32 @!p0 $0x1BF5;
	p2 =	por !p2, p0  }
0x20: {  	[sflag:s8] =	ssyncset.s32 @!p0 $0xFFFFF086;
	s6 =	sadd.s32 @!p0 s3, s7;
	s7 =	simm.s32 @!p0 $0x108  }
0x21: {  	s3 =	sadd.s32 s3, s9;
	s6 =	sadd.s32 @!p0 $0x88, s6;
	s7 =	simm.s32 @p2 $0x1082  }
0x22: {  	[simem:s7], [sflag:s8] =	dma.local @!p0 [hbm:s6], $0xF7A  }
0x23: {  	s9 =	sor.u32 $0xD0000000, s2;
	s6 =	simm.s32 $0x108;
	_ =	swait.ge @!p0 [sflag:s8], $0x0  }
0x24: {  	s3 =	sadd.s32 $0x88, s3;
	s6 =	simm.s32 @!p1 $0x1082;
	[sflag:s4] =	ssyncset.s32 $0xFFFFF086  }
0x25: {  	[simem:s6], [sflag:s4] =	dma.local [hbm:s3], $0xF7A  }
0x26: {  	[smem:$0x3F9B] =	sst s1;
	(tag) =	ssettag s2;
	_ =	strace s9  }
0x27: {  	s1 =	sld [smem:$0x3FAB]  }
0x28: {  	s2 =	sld [smem:$0x3FAC]  }
0x29: {  	s4 =	sld [smem:$0x3FAE]  }
0x2a: {  	p0 =	seq.s32 s5, $0x0;
	s5 =	sld [smem:$0x3FAF]  }
0x2b: {  	s6 =	sld [smem:$0x3FB0]  }
0x2c: {  	s7 =	sld [smem:$0x3FB1]  }
0x2d: {  	s3 =	simm.s32 $0x108;
	s8 =	sld [smem:$0x3FB2]  }
0x2e: {  	s3 =	simm.s32 @!p0 $0x1082;
	s9 =	sld [smem:$0x3FB3]  }
0x2f: {  	lr =	sadd.s32 s0, s3;
	s0 =	sld [smem:$0x3FAA]  }
0x30: {  	s3 =	sld [smem:$0x3FAD]  }
0x31: {  	[smem:$0x3FB6] =	sst s10  }
0x32: {  	s10 =	sld [smem:$0x3FB4];
	_ =	sdelay $0x3  }
0x33: {  	p0 =	seq.s32 s10, $0x1;
	s10 =	sld [smem:$0x3FB6];
	_ =	sdelay $0x3  }
0x34: {  	[smem:$0x3FB6] =	sst s10  }
0x35: {  	s10 =	sld [smem:$0x3FB5];
	_ =	sdelay $0x3  }
0x36: {  	p1 =	seq.s32 s10, $0x1;
	s10 =	sld [smem:$0x3FB6];
	_ =	sdelay $0x3  }
0x37: {  	[smem:$0x3FB6] =	sst s10  }
0x38: {  	s10 =	sld [smem:$0x3FB7]  }
0x39: {  	_ = 	snop;
	(pc) =	sbr.ind lr, $3  }
0x3a: {  	_ = 	snop  }
0x3b: {  	_ = 	snop  }
0x3c: {  	p2 =	seq.s32 s10, $0x1;
	s10 =	sld [smem:$0x3FB6]  }
0x3d: {  	_ =	shalt  }
0x3e: {  	_ =	shalt  }
0x3f: {  	_ =	shalt  }
0x40: {  	_ =	shalt  }
0x41: {  	_ =	shalt  }
0x42: {  	_ =	shalt  }
0x43: {  	_ =	shalt  }
0x44: {  	_ =	shalt  }
0x45: {  	_ =	shalt  }
0x46: {  	_ =	shalt  }
0x47: {  	_ =	shalt  }
0x48: {  	_ =	shalt  }
0x49: {  	_ =	shalt  }
0x4a: {  	_ =	shalt  }
0x4b: {  	_ =	shalt  }
0x4c: {  	_ =	shalt  }
0x4d: {  	_ =	shalt  }
0x4e: {  	_ =	shalt  }
0x4f: {  	_ =	shalt  }
0x50: {  	_ =	shalt  }
0x51: {  	_ =	shalt  }
0x52: {  	_ =	shalt  }
0x53: {  	_ =	shalt  }
0x54: {  	_ =	shalt  }
0x55: {  	_ =	shalt  }
0x56: {  	_ =	shalt  }
0x57: {  	_ =	shalt  }
0x58: {  	_ =	shalt  }
0x59: {  	_ =	shalt  }
0x5a: {  	_ =	shalt  }
0x5b: {  	_ =	shalt  }
0x5c: {  	_ =	shalt  }
0x5d: {  	_ =	shalt  }
0x5e: {  	_ =	shalt  }
0x5f: {  	_ =	shalt  }
0x60: {  	_ =	shalt  }
0x61: {  	_ =	shalt  }
0x62: {  	_ =	shalt  }
0x63: {  	_ =	shalt  }
0x64: {  	_ =	shalt  }
0x65: {  	_ =	shalt  }
0x66: {  	_ =	shalt  }
0x67: {  	_ =	shalt  }
0x68: {  	_ =	shalt  }
0x69: {  	_ =	shalt  }
0x6a: {  	_ =	shalt  }
0x6b: {  	_ =	shalt  }
0x6c: {  	_ =	shalt  }
0x6d: {  	_ =	shalt  }
0x6e: {  	_ =	shalt  }
0x6f: {  	_ =	shalt  }
0x70: {  	_ =	shalt  }
0x71: {  	_ =	shalt  }
0x72: {  	_ =	shalt  }
0x73: {  	_ =	shalt  }
0x74: {  	_ =	shalt  }
0x75: {  	_ =	shalt  }
0x76: {  	_ =	shalt  }
0x77: {  	_ =	shalt  }
0x78: {  	_ =	shalt  }
0x79: {  	_ =	shalt  }
0x7a: {  	_ =	shalt  }
0x7b: {  	_ =	shalt  }
0x7c: {  	_ =	shalt  }
0x7d: {  	_ =	shalt  }
0x7e: {  	_ =	shalt  }
0x7f: {  	_ =	shalt  }
0x80: {  	_ =	shalt  }
0x81: {  	_ =	shalt  }
0x82: {  	_ =	shalt  }
0x83: {  	_ =	shalt  }
0x84: {  	_ =	shalt  }
0x85: {  	_ =	shalt  }
0x86: {  	_ =	shalt  }
0x87: {  	_ =	shalt  }
.Lfunc_end0:
.L_simem_size_0:
called_computation_lowered:
.L_overlay_start_0:
0x88: {  	s2 =	sld [smem:$0x3FD9]  }
0x89: {  	s3 =	sld [smem:$0x3FFE];
	_ =	sdelay $0x1  }
0x8a: {  	s1 =	srdreg.scid  }
0x8b: {  	s0 =	sand.u32 $0x1, s1  }
0x8c: {  	s15 =	sshll.u32 s0, $0xA;
	s2 =	sadd.s32 s3, s2  }
0x8d: {  	s2 =	sadd.s32 s2, s15  }
0x8e: {  	[smem:$0x3FC2] =	sst s2  }
0x8f: {  	_ = 	snop  }
0x90: {  	s2 =	sld [smem:$0x3FC9]  }
0x91: {  	s16 =	sld [smem:$0x3FC8]  }
0x92: {  	s4 =	sld [smem:$0x3FC7]  }
0x93: {  	s5 =	sld [smem:$0x3FD0]  }
0x94: {  	s6 =	sld [smem:$0x3FC6]  }
0x95: {  	s7 =	sld [smem:$0x3FC5]  }
0x96: {  	s9 =	simm.s32 $0xA;
	s10 =	simm.s32 $0x10;
	s8 =	sld [smem:$0x3FC4]  }
0x97: {  	[smem:s10], [sflag:s9] =	dma.local [hbm:s5], $0x1  }
0x98: {  	_ =	swait.eq [sflag:s9], $0x1  }
0x99: {  	s17 =	sld [smem:$0x10];
	[sflag:s9] =	ssyncset.done $0x0  }
0x9a: {  	s18 =	sld [smem:$0x11];
	[sflag:s9] =	ssyncadd.s32 $0xFFFFFFFF  }
0x9b: {  	s19 =	sld [smem:$0x12];
	(tm) =	ssettm $0x1  }
0x9c: {  	s11 =	sld [smem:$0x3FFB];
	_ =	sdelay $0x3  }
0x9d: {  	_ =	strace s11  }
0x9e: {  	s11 =	sld [smem:$0x3FFC];
	_ =	sdelay $0x3  }
0x9f: {  	_ =	strace s11  }
0xa0: {  	s11 =	sld [smem:$0x3FFD];
	_ =	sdelay $0x3  }
0xa1: {  	_ =	strace s11  }
0xa2: {  	_ =	strace $0x8FFFFFFF  }
0xa3: {  	s20 =	sld [smem:$0x3FDB];
	_ =	sdelay $0x1  }
0xa4: {  	s12 =	simm.s32 $_scs_section_size  }
0xa5: {  	s13 =	simm.s32 $_size__tile_overlayer_lowered;
	s14 =	simm.s32 $_tile_overlayer_lowered  }
0xa6: {  	s23 =	simm.s32 $0x1BFF;
	s22 =	sshll.u32 s14, $0x1;
	s11 =	sadd.s32 s12, s20  }
0xa7: {  	s21 =	sshll.u32 s13, $0x1;
	s15 =	simm.s32 $0x0;
	s13 =	sadd.s32 s22, s11  }
0xa8: {  	[timem:s15], [sflag:s23] =	dma.local [hbm:s13], s21  }
0xa9: {  	_ =	swait.ge [sflag:s23], s21  }
0xaa: {  	s12 =	ssub.s32 $0x0, s21;
	[sflag:s23] =	ssyncset.done $0x0  }
0xab: {  	[sflag:s23] =	ssyncadd.s32 s12;
	_ =	sdelay $0x1  }
0xac: {  	s24 =	simm.s32 $0x1B8B  }
0xad: {  	_ =	swait.ge [sflag:s24], $0x1  }
0xae: {  	[sflag:s24] =	ssyncset.done $0x0  }
0xaf: {  	s25 =	simm.s32 $0x1B8E;
	[sflag:s24] =	ssyncadd.s32 $0xFFFFFFFF  }
0xb0: {  	s26 =	simm.s32 $execute0_lowered;
	[smem:$0x3FD2] =	sst s25  }
0xb1: {  	s12 =	sshll.u32 s26, $0x1;
	_ =	strace $0x80000046;
	[dreg:$0x1] =	wrdreg $0xFFFFFFFF  }
0xb2: {  	s28 =	simm.s32 $_size_execute0_lowered;
	s11 =	sadd.s32 s11, s12;
	[dreg:$0x0] =	wrdreg $0x0  }
0xb3: {  	s12 =	sshll.u32 s28, $0x1;
	[dreg:$0x2] =	wrdreg s11  }
0xb4: {  	[dreg:$0x3] =	wrdreg s12  }
0xb5: {  	[dreg:$0x4] =	wrdreg $0xC0  }
0xb6: {  	_ =	task [dreg:s15], $0x5FFFF  }
0xb7: {  	[dreg:$0x1] =	wrdreg $0xFFFFFFFF  }
0xb8: {  	[dreg:$0x0] =	wrdreg $0x60  }
0xb9: {  	[dreg:$0x2] =	wrdreg s2  }
0xba: {  	[dreg:$0x3] =	wrdreg s16  }
0xbb: {  	[dreg:$0x4] =	wrdreg s4  }
0xbc: {  	[dreg:$0x5] =	wrdreg s6  }
0xbd: {  	[dreg:$0x6] =	wrdreg s7  }
0xbe: {  	[dreg:$0x7] =	wrdreg s8  }
0xbf: {  	[dreg:$0x8] =	wrdreg s17  }
0xc0: {  	[dreg:$0x9] =	wrdreg s18  }
0xc1: {  	[dreg:$0xa] =	wrdreg s19  }
0xc2: {  	[dreg:$0xb] =	wrdreg $0x9  }
0xc3: {  	_ =	task.clear_ibuf [dreg:s15], $0xCFFFF;
	_ =	strace $0x90000046  }
0xc4: {  	s29 =	simm.s32 $0x9;
	_ =	strace $0x80000048  }
0xc5: {  	_ =	swait.ge [sflag:s29], $0x1  }
0xc6: {  	[sflag:s29] =	ssyncadd.s32 $0xFFFFFFFF  }
0xc7: {  	_ =	strace $0x90000048  }
0xc8: {  	_ =	sfence  }
0xc9: {  	s30 =	sld [smem:$0x0];
	_ =	sdelay $0x2  }
0xca: {  	s31 =	sshll.u32 s1, $0xD;
	s1 =	sshrl.u32 s1, $0x2  }
0xcb: {  	s3 =	sand.u32 $0x4000, s31;
	s1 =	sadd.s32 s1, s30  }
0xcc: {  	s0 =	sor.u32 s3, s0;
	s1 =	sshll.u32 s1, $0x11  }
0xcd: {  	s0 =	sor.u32 s1, s0  }
0xce: {  	s0 =	sadd.s32 $0x8F2B, s0  }
0xcf: {  	[sflag:s0] =	ssyncadd.remote.s32 $0x1  }
0xd0: {  	_ =	sfence.sel $0xFFFF  }
0xd1: {  	[dreg:$0x0] =	wrdreg $0xFFFFFFFF;
	(pc) =	sbr.abs _section_cstart, $3  }
0xd2: {  	[dreg:$0x1] =	wrdreg $0xFFFFFFFF  }
0xd3: {  	_ =	task.clear_ibuf [dreg:s15], $0x2FFFF;
	_ =	strace $0x9FFFFFFF  }
0xd4: {  	(tm) =	ssettm $0x7FFFFFFF  }
0xd5: {  	_ =	shalt  }
tec
execute0_lowered:
.L_overlay_start_1:
0x0: {  	(tag) =	ssettag $0x1  }
0x1: {  	s0 =	rddreg [dreg:$0x0]  }
0x2: {  	s1 =	rddreg [dreg:$0x1]  }
0x3: {  	s2 =	rddreg [dreg:$0x6]  }
0x4: {  	s3 =	rddreg [dreg:$0x7]  }
0x5: {  	s4 =	rddreg [dreg:$0x8]  }
0x6: {  	s5 =	srdreg.scid;
	s6 =	stileid.u32;
	s8 =	simm.s32 $0x0  }
0x7: {  	s18 =	simm.s32 $0x1;
	s19 =	simm.s32 $0x80;
	s31 =	simm.s32 $0xCB80  }
0x8: {  	s15 =	simm.s32 $0xD080;
	s16 =	simm.s32 $0x2;
	s17 =	simm.s32 $0x3  }
0x9: {  	s11 =	simm.s32 $0xD100;
	s12 =	simm.s32 $0xD300;
	s13 =	simm.s32 $0xD500  }
0xa: {  	s21 =	simm.s32 $0x0;
	s5 =	sand.u32 $0x1, s5;
	s6 =	sshll.u32 s6, $0xA  }
0xb: {  	[smem:$0x7FF] =	sst s8;
	s7 =	sshll.u32 s5, $0x9;
	s5 =	ssub.s32 $0x2, s5  }
0xc: {  	_ =	strace $0x80000047;
	s9 =	sor.u32 s7, s6;
	s26 =	sshrl.u32 s5, $0x1  }
0xd: {  	s6 =	simm.s32 $0xCC00;
	s7 =	sshrl.u32 s9, $0x3;
	s5 =	ssub.s32 s5, s26  }
.Ltmp0:
0xe: {  	s10 =	sadd.s32 $0x200, s9;
	s2 =	sadd.s32 s2, s7;
	(pc) =	sbr.rel .LBB2_1-.Ltmp0, $4  }
0xf: {  	s28 =	sadd.s32 s3, s7;
	s29 =	sadd.s32 s4, s7;
	[dreg:$0xa] =	wrdreg s2  }
0x10: {  	v2 =	vimm.f32 $0.0e+00;
	s30 =	smax.u32 s5, $0x1;
	s4 =	simm.s32 $0xD000;
	[dreg:$0xb] =	wrdreg s28  }
0x11: {  	v3 =	vimm.s32 $0x0;
	v4 =	vimm.s32 $0xFFFFFFFF;
	v5 =	vlaneseq.u32;
	s7 =	simm.s32 $0xC900;
	s3 =	simm.s32 $0xCA80;
	[dreg:$0xc] =	wrdreg s29  }
0x12: {  	v6 =	vimm.s32 $0x1;
	v0 =	vmov s9;
	s5 =	simm.s32 $0xCF00;
	v1 =	vmov s10;
	[dreg:$0xd] =	wrdreg s30;
	s2 =	simm.s32 $0xCD80  }
.LBB2_18:
0x13: {  	s14 =	rddreg [dreg:$0xa];
	s20 =	simm.s32 $0x4  }
0x14: {  	[hbm4b:s14+s8] =	stream.linear.scatter [tilespmem:s11], [sflag:$0x4], $0x200, $0x38;
	[tilespmem:$0xD700] =	vst v63  }
0x15: {  	_ =	swait.ge [sflag:s20], $0x200  }
0x16: {  	[sflag:s20] =	ssyncset.done $0x0  }
0x17: {  	s28 =	rddreg [dreg:$0xb];
	[sflag:s20] =	ssyncadd.s32 $0xFFFFFE00  }
0x18: {  	[hbm4b:s28+s8] =	stream.linear.scatter [tilespmem:s12], [sflag:$0x4], $0x200, $0x38;
	[tilespmem:$0xD700] =	vst v63  }
0x19: {  	_ =	swait.ge [sflag:s20], $0x200  }
0x1a: {  	[sflag:s20] =	ssyncset.done $0x0  }
0x1b: {  	s29 =	rddreg [dreg:$0xc];
	[sflag:s20] =	ssyncadd.s32 $0xFFFFFE00  }
0x1c: {  	[hbm4b:s29+s8] =	stream.linear.scatter [tilespmem:s13], [sflag:$0x4], $0x200, $0x38;
	[tilespmem:$0xD700] =	vst v63  }
0x1d: {  	_ =	swait.ge [sflag:s20], $0x200  }
0x1e: {  	s21 =	rddreg [dreg:$0xe]  }
0x1f: {  	s30 =	rddreg [dreg:$0xd];
	s21 =	sadd.s32 $0x1, s21  }
0x20: {  	p0 =	sne.s32 s21, s30  }
.Ltmp1:
0x21: {  	_ = 	snop;
	(pc) =	sbr.rel @!p0 .LBB2_19-.Ltmp1, $3  }
0x22: {  	_ =	sdelay $0x1  }
0x23: {  	[sflag:s20] =	ssyncset.done $0x0  }
0x24: {  	[sflag:s20] =	ssyncadd.s32 $0xFFFFFE00  }
.LBB2_1:
0x25: {  	[dreg:$0xe] =	wrdreg s21  }
0x26: {  	s14 =	rddreg [dreg:$0x5]  }
0x27: {  	s25 =	rddreg [dreg:$0x3]  }
0x28: {  	[tilespmem:s8], [sflag:$0x1] =	stream.linear.gather [hbm4b:s14+s8], $0x3000, $0x38;
	[tilespmem:$0xD700] =	vst v63  }
0x29: {  	s20 =	simm.s32 $0x3200;
	s26 =	rddreg [dreg:$0x4]  }
0x2a: {  	[tilespmem:s20], [sflag:$0x1] =	stream.linear.gather [hbm4b:s25+s8], $0x3000, $0x38;
	[tilespmem:$0xD700] =	vst v63  }
0x2b: {  	s28 =	simm.s32 $0x6400;
	s29 =	rddreg [dreg:$0x2]  }
0x2c: {  	[tilespmem:s28], [sflag:$0x1] =	stream.linear.gather [hbm4b:s26+s8], $0x3000, $0x38;
	[tilespmem:$0xD700] =	vst v63  }
0x2d: {  	s30 =	simm.s32 $0x9600;
	s14 =	simm.s32 $0x40;
	s20 =	simm.s32 $0x0  }
0x2e: {  	[tilespmem:s30], [sflag:$0x1] =	stream.linear.gather [hbm4b:s29+s8], $0x3000, $0x38;
	[tilespmem:$0xD700] =	vst v63  }
.LBB2_2:
0x2f: {  	p0 =	sne.s32 s14, $0x7C0;
	[tilespmem:s20+$0xD500] =	vst v3;
	s21 =	smov.u32 s14;
	s14 =	sadd.s32 $0x40, s14  }
.Ltmp2:
0x30: {  	[tilespmem:s20+$0xD100] =	vst v2;
	(pc) =	sbr.rel @p0 .LBB2_2-.Ltmp2, $2  }
0x31: {  	[tilespmem:s20+$0xD300] =	vst v3;
	_ =	sdelay $0x2  }
0x32: {  	s20 =	sshra.s32 s21, $0x2  }
0x33: {  	[tilespmem:s20+$0xD500] =	vst v3  }
0x34: {  	[tilespmem:s20+$0xD100] =	vst v2  }
0x35: {  	[tilespmem:s20+$0xD300] =	vst v3  }
0x36: {  	_ =	swait.ge [sflag:s18], $0x3000  }
0x37: {  	s14 =	simm.s32 $0x0;
	[sflag:s18] =	ssyncset.done $0x0  }
0x38: {  	s20 =	simm.s32 $0x10;
	s22 =	sand.u32 $0x1F0, s14;
	[sflag:s18] =	ssyncadd.s32 $0xFFFFD000  }
.LBB2_4:
0x39: {  	p0 =	sne.s32 s20, $0x190  }
0x3a: {  	[tilespmem:s22+$0x3000] =	vst v4;
	s21 =	simm.s32 $0x3000;
	s22 =	smov.u32 s20;
	s20 =	sadd.s32 $0x10, s20  }
.Ltmp3:
0x3b: {  	(pc) =	sbr.rel @p0 .LBB2_4-.Ltmp3, $2  }
0x3c: {  	_ =	sdelay $0x2  }
0x3d: {  	s22 =	sand.u32 $0x1F0, s22  }
0x3e: {  	[tilespmem:s22+$0x3000] =	vst v4;
	s24 =	simm.s32 $0x3000;
	s22 =	simm.s32 $0xD;
	s23 =	simm.s32 $0x3000  }
.LBB2_6:
0x3f: {  	s25 =	smov.u32 s23  }
0x40: {  	p0 =	sne.s32 s22, $0x1;
	s20 =	sand.u32 $0x1, s24  }
0x41: {  	p1 =	slt.s32 s24, $0x1;
	p2 =	seq.s32 s20, $0x1  }
0x42: {  	s20 =	sshrl.u32 s24, $0x1F;
	p1 =	por !p1, !p2  }
0x43: {  	s23 =	simm.s32 $0x1;
	s20 =	sadd.s32 s20, s24;
	p1 =	por !p1, !p1  }
0x44: {  	s20 =	sshra.s32 s20, $0x1;
	s23 =	simm.s32 @!p1 $0x0  }
0x45: {  	s23 =	ssub.s32 s20, s23  }
0x46: {  	v7 =	vmov s23;
	_ =	sdelay $0x3  }
0x47: {  	s20 =	simm.s32 $0x0  }
0x48: {  	v7 =	vld.idx.msk [tilespmem:v7+s20+$0x0], $0xffff;
	_ =	sdelay $0x5  }
0x49: {  	(v2sf) =	vpush v7, $0x0;
	_ =	sdelay $0xd  }
.Ltmp4:
0x4a: {  	(pc) =	sbr.rel @p0 .LBB2_6-.Ltmp4, $4  }
0x4b: {  	s24 =	spop (v2sf)  }
0x4c: {  	p1 =	slt.s32 s24, s9;
	s24 =	sadd.s32 $0x1, s23  }
0x4d: {  	s14 =	smov.u32 @p1 s24;
	s23 =	smov.u32 @p1 s25  }
0x4e: {  	s22 =	sadd.s32 $0xFFFFFFFF, s22;
	s24 =	sadd.s32 s14, s23  }
0x4f: {  	s22 =	sand.u32 $0x1, s24  }
0x50: {  	p0 =	slt.s32 s24, $0x1;
	p1 =	seq.s32 s22, $0x1  }
0x51: {  	s29 =	sshrl.u32 s24, $0x1F;
	p0 =	por !p0, !p1  }
0x52: {  	s23 =	simm.s32 $0x1;
	s22 =	sadd.s32 s29, s24;
	p0 =	por !p0, !p0  }
0x53: {  	s22 =	sshra.s32 s22, $0x1;
	s23 =	simm.s32 @!p0 $0x0  }
0x54: {  	s22 =	ssub.s32 s22, s23  }
0x55: {  	v7 =	vmov s22;
	_ =	sdelay $0x4  }
0x56: {  	v7 =	vld.idx.msk [tilespmem:v7+s20+$0x0], $0xffff;
	_ =	sdelay $0x4  }
0x57: {  	(v2sf) =	vpush v7, $0x0;
	_ =	sdelay $0xe  }
0x58: {  	s30 =	spop (v2sf)  }
0x59: {  	s22 =	sadd.s32 $0x1, s22;
	p0 =	slt.s32 s30, s9  }
0x5a: {  	s23 =	simm.s32 $0x3000;
	s14 =	smov.u32 @p0 s22;
	s22 =	simm.s32 $0xD  }
.LBB2_8:
0x5b: {  	s24 =	smov.u32 s21  }
0x5c: {  	p0 =	sne.s32 s22, $0x1;
	s21 =	sand.u32 $0x1, s23  }
0x5d: {  	p1 =	slt.s32 s23, $0x1;
	p2 =	seq.s32 s21, $0x1  }
0x5e: {  	s21 =	sshrl.u32 s23, $0x1F;
	p1 =	por !p1, !p2  }
0x5f: {  	s21 =	sadd.s32 s21, s23;
	s23 =	simm.s32 $0x1;
	p1 =	por !p1, !p1  }
0x60: {  	s21 =	sshra.s32 s21, $0x1;
	s23 =	simm.s32 @!p1 $0x0  }
0x61: {  	s21 =	ssub.s32 s21, s23  }
0x62: {  	v7 =	vmov s21;
	_ =	sdelay $0x4  }
0x63: {  	v7 =	vld.idx.msk [tilespmem:v7+s8+$0x0], $0xffff;
	_ =	sdelay $0x5  }
0x64: {  	(v2sf) =	vpush v7, $0x0;
	_ =	sdelay $0xd  }
.Ltmp5:
0x65: {  	(pc) =	sbr.rel @p0 .LBB2_8-.Ltmp5, $4  }
0x66: {  	s23 =	spop (v2sf)  }
0x67: {  	p1 =	slt.s32 s23, s10;
	s23 =	sadd.s32 $0x1, s21  }
0x68: {  	s20 =	smov.u32 @p1 s23;
	s21 =	smov.u32 @p1 s24  }
0x69: {  	s22 =	sadd.s32 $0xFFFFFFFF, s22;
	s23 =	sadd.s32 s20, s21  }
0x6a: {  	s21 =	sand.u32 $0x1, s23  }
0x6b: {  	p0 =	slt.s32 s23, $0x1;
	p1 =	seq.s32 s21, $0x1  }
0x6c: {  	s29 =	sshrl.u32 s23, $0x1F;
	p0 =	por !p0, !p1  }
0x6d: {  	s22 =	simm.s32 $0x1;
	s21 =	sadd.s32 s29, s23;
	p0 =	por !p0, !p0  }
0x6e: {  	s21 =	sshra.s32 s21, $0x1;
	s22 =	simm.s32 @!p0 $0x0  }
0x6f: {  	s21 =	ssub.s32 s21, s22  }
0x70: {  	v7 =	vmov s21;
	_ =	sdelay $0x4  }
0x71: {  	v7 =	vld.idx.msk [tilespmem:v7+s8+$0x0], $0xffff;
	_ =	sdelay $0x4  }
0x72: {  	(v2sf) =	vpush v7, $0x0;
	_ =	sdelay $0xe  }
0x73: {  	s30 =	spop (v2sf)  }
0x74: {  	_ =	swait.ge [sflag:s18], $0x3000  }
0x75: {  	[sflag:s18] =	ssyncset.done $0x0  }
0x76: {  	[sflag:s18] =	ssyncadd.s32 $0xFFFFD000  }
0x77: {  	_ =	swait.ge [sflag:s18], $0x3000  }
0x78: {  	[sflag:s18] =	ssyncset.done $0x0  }
0x79: {  	[sflag:s18] =	ssyncadd.s32 $0xFFFFD000  }
0x7a: {  	s22 =	simm.s32 $0x40;
	_ =	swait.ge [sflag:s18], $0x3000  }
0x7b: {  	s21 =	sadd.s32 $0x1, s21;
	p0 =	slt.s32 s30, s10;
	[sflag:s18] =	ssyncset.done $0x0  }
0x7c: {  	s20 =	smov.u32 @p0 s21;
	s21 =	simm.s32 $0x0;
	[sflag:s18] =	ssyncadd.s32 $0xFFFFD000  }
.LBB2_10:
0x7d: {  	p0 =	sne.s32 s22, $0x640;
	[tilespmem:s21+$0xC600] =	vst v2;
	s23 =	smov.u32 s22;
	s22 =	sadd.s32 $0x40, s22  }
.Ltmp6:
0x7e: {  	[tilespmem:s21+$0x6200] =	vst v3;
	(pc) =	sbr.rel @p0 .LBB2_10-.Ltmp6, $2  }
0x7f: {  	[tilespmem:s21+$0x9400] =	vst v3;
	_ =	sdelay $0x2  }
0x80: {  	s21 =	sshra.s32 s23, $0x2  }
0x81: {  	s22 =	sshra.s32 s14, $0x1F;
	s23 =	sand.u32 $0xF, s14  }
0x82: {  	p0 =	slt.s32 s14, $0x1;
	s24 =	sadd.s32 $0xF, s20;
	p3 =	slt.s32 s20, $0xFFFFFFF2  }
0x83: {  	s20 =	simm.s32 $0x1;
	s22 =	sshrl.u32 s22, $0x1C;
	p1 =	sne.s32 s23, $0x0  }
0x84: {  	s25 =	sshra.s32 s24, $0x1F;
	s26 =	sand.u32 $0xF, s24;
	s22 =	sadd.s32 s22, s14  }
0x85: {  	p0 =	por !p0, !p1;
	s25 =	sshrl.u32 s25, $0x1C;
	p4 =	sne.s32 s26, $0x0  }
0x86: {  	s30 =	sshra.s32 s22, $0x4;
	p0 =	por !p0, !p0;
	s22 =	simm.s32 $0x1  }
0x87: {  	s28 =	sadd.s32 s25, s24;
	s22 =	simm.s32 @!p0 $0x0;
	p0 =	por !p3, !p4  }
0x88: {  	s14 =	sshra.s32 s28, $0x4;
	s23 =	ssub.s32 s30, s22;
	p0 =	por !p0, !p0  }
0x89: {  	s14 =	ssub.s32 s14, s23;
	s20 =	simm.s32 @!p0 $0x0  }
0x8a: {  	s14 =	ssub.s32 s14, s20  }
0x8b: {  	s20 =	sadd.s32 $0x17, s14  }
0x8c: {  	s29 =	smulhi.u32 $0x2AAAAAAB, s20;
	s20 =	sshra.s32 s20, $0x1F  }
0x8d: {  	s20 =	smul.u32 $0x2AAAAAAB, s20;
	_ =	sdelay $0x1  }
0x8e: {  	s20 =	sadd.s32 s20, s29  }
0x8f: {  	s22 =	sshrl.u32 s20, $0x1F;
	s20 =	sshra.s32 s20, $0x2  }
0x90: {  	s20 =	sadd.s32 s22, s20  }
0x91: {  	s22 =	smul.u32 $0xFFFFFFE8, s20  }
0x92: {  	s30 =	ssub.s32 $0xFFFFFFE9, s14  }
0x93: {  	p6 =	slt.s32 s14, $0xFFFFFFEA;
	p5 =	sne.s32 s22, s30  }
0x94: {  	p0 =	por !p6, !p5  }
0x95: {  	s14 =	simm.s32 $0x1;
	p0 =	por !p0, !p0  }
0x96: {  	s14 =	simm.s32 @!p0 $0x0  }
0x97: {  	s14 =	ssub.s32 s20, s14  }
0x98: {  	p0 =	slt.s32 s14, $0x1  }
.Ltmp7:
0x99: {  	_ = 	snop;
	(pc) =	sbr.rel @p0 .LBB2_18-.Ltmp7, $4  }
0x9a: {  	_ = 	snop  }
0x9b: {  	[tilespmem:s21+$0xC600] =	vst v2  }
0x9c: {  	[tilespmem:s21+$0x6200] =	vst v3  }
0x9d: {  	[tilespmem:s21+$0x9400] =	vst v3  }
0x9e: {  	s20 =	sshll.u32 s23, $0x6;
	s30 =	sshll.u32 s23, $0x4  }
0x9f: {  	s25 =	simm.s32 $0x0;
	s20 =	sshra.s32 s20, $0x2;
	s23 =	sor.u32 $0x1, s30  }
0xa0: {  	s21 =	sadd.s32 $0x3200, s20;
	s22 =	sadd.s32 $0x6400, s20;
	s24 =	sadd.s32 $0x9600, s20  }
.LBB2_13:
0xa1: {  	v8 =	vmov s20  }
0xa2: {  	v9 =	vmov s21  }
0xa3: {  	v7 =	vmov s22;
	_ =	sdelay $0x1  }
0xa4: {  	s26 =	simm.s32 $0x0  }
0xa5: {  	v13 =	vld.idx.msk [tilespmem:v8+s26+$0x0 ss:$0x1], $0xffff  }
0xa6: {  	v11 =	vld.idx.msk [tilespmem:v9+s26+$0x0 ss:$0x1], $0xffff  }
0xa7: {  	v10 =	vld.idx.msk [tilespmem:v7+s26+$0x0 ss:$0x1], $0xffff;
	_ =	sdelay $0x2  }
0xa8: {  	vm0 =	vgt.s32 v13, $0x0  }
0xa9: {  	v12 =	vshll.u32 v11, $0x9;
	v11 =	vshll.u32 v11, $0x7;
	v13 =	vnsel vm0, $0x0, v13  }
0xaa: {  	v14 =	vshll.u32 v10, $0x3;
	v15 =	vshll.u32 v13, $0x9;
	v16 =	vshll.u32 v13, $0x7  }
0xab: {  	s28 =	simm.s32 $0x40;
	v13 =	vand.u32 $0xFFFFFC00, v14;
	v15 =	vand.u32 $0xFFFFF000, v15;
	v14 =	vand.u32 $0x380, v16  }
.LBB2_14:
0xac: {  	p0 =	sne.s32 s28, $0x5C0;
	v12 =	vand.u32 $0xFFFFF000, v12;
	v10 =	vand.u32 $0x7F, v10;
	v15 =	vadd.s32 v13, v15;
	s29 =	smov.u32 s28;
	s28 =	sadd.s32 $0x40, s28  }
0xad: {  	v11 =	vand.u32 $0x380, v11;
	s29 =	sshra.s32 s29, $0x2;
	v12 =	vadd.s32 v12, v13;
	v13 =	vor.u32 v14, v15  }
0xae: {  	v11 =	vor.u32 v11, v12;
	v12 =	vor.u32 v10, v13  }
0xaf: {  	v10 =	vor.u32 v10, v11;
	[tilespmem:s26+$0xC980] =	vst v12;
	v11 =	vadd.s32 $0x1000000, v12  }
0xb0: {  	[tilespmem:s26+$0xC800] =	vst v10  }
0xb1: {  	[tilespmem:s26+$0xCB00] =	vst v11;
	s26 =	smov.u32 s29  }
0xb2: {  	v13 =	vld.idx.msk [tilespmem:v8+s26+$0x0 ss:$0x1], $0xffff  }
0xb3: {  	v11 =	vld.idx.msk [tilespmem:v9+s26+$0x0 ss:$0x1], $0xffff  }
0xb4: {  	v10 =	vld.idx.msk [tilespmem:v7+s26+$0x0 ss:$0x1], $0xffff;
	_ =	sdelay $0x2  }
.Ltmp8:
0xb5: {  	(pc) =	sbr.rel @p0 .LBB2_14-.Ltmp8, $4  }
0xb6: {  	vm0 =	vgt.s32 v13, $0x0  }
0xb7: {  	v12 =	vshll.u32 v11, $0x9;
	v11 =	vshll.u32 v11, $0x7;
	v13 =	vnsel vm0, $0x0, v13  }
0xb8: {  	v14 =	vshll.u32 v10, $0x3;
	v15 =	vshll.u32 v13, $0x9;
	v16 =	vshll.u32 v13, $0x7  }
0xb9: {  	v13 =	vand.u32 $0xFFFFFC00, v14;
	v15 =	vand.u32 $0xFFFFF000, v15;
	v14 =	vand.u32 $0x380, v16  }
0xba: {  	v9 =	vand.u32 $0xFFFFF000, v12;
	v10 =	vand.u32 $0x7F, v10;
	v58 =	vadd.s32 v13, v15  }
0xbb: {  	v11 =	vand.u32 $0x380, v11;
	v9 =	vadd.s32 v9, v13;
	v12 =	vor.u32 v14, v58  }
0xbc: {  	v9 =	vor.u32 v11, v9;
	v11 =	vor.u32 v10, v12  }
0xbd: {  	v9 =	vor.u32 v10, v9;
	[tilespmem:s26+$0xC980] =	vst v11  }
0xbe: {  	v10 =	vadd.s32 $0x1000000, v11;
	[tilespmem:s26+$0xC800] =	vst v9  }
0xbf: {  	s30 =	simm.s32 $0xC800;
	s28 =	simm.s32 $0xCC80;
	[tilespmem:s26+$0xCB00] =	vst v10  }
0xc0: {  	[tilespmem:s28], [sflag:$0x1] =	stream.indirect.gather [hbm4b:s1+s19], $0x1, s30, s19, $0xb8;
	[tilespmem:$0xD700] =	vst v63  }
0xc1: {  	s30 =	simm.s32 $0xC980;
	s28 =	simm.s32 $0xCE00  }
0xc2: {  	[tilespmem:s28], [sflag:$0x2] =	stream.indirect.gather [hbm4b:s0+s19], $0x1, s30, s19, $0xb8;
	[tilespmem:$0xD700] =	vst v63  }
0xc3: {  	s30 =	simm.s32 $0xCB00;
	s28 =	simm.s32 $0xCF80  }
0xc4: {  	[tilespmem:s28], [sflag:$0x3] =	stream.indirect.gather [hbm4b:s0+s19], $0x1, s30, s19, $0xb8;
	[tilespmem:$0xD700] =	vst v63  }
0xc5: {  	s30 =	simm.s32 $0xC880;
	s28 =	simm.s32 $0xCD00  }
0xc6: {  	[tilespmem:s28], [sflag:$0x1] =	stream.indirect.gather [hbm4b:s1+s19], $0x1, s30, s19, $0xb8;
	[tilespmem:$0xD700] =	vst v63  }
0xc7: {  	s30 =	simm.s32 $0xCA00;
	s28 =	simm.s32 $0xCE80  }
0xc8: {  	[tilespmem:s28], [sflag:$0x2] =	stream.indirect.gather [hbm4b:s0+s19], $0x1, s30, s19, $0xb8;
	[tilespmem:$0xD700] =	vst v63  }
0xc9: {  	_ = 	snop  }
0xca: {  	[tilespmem:s4], [sflag:$0x3] =	stream.indirect.gather [hbm4b:s0+s19], $0x1, s31, s19, $0xb8;
	[tilespmem:$0xD700] =	vst v63  }
0xcb: {  	_ = 	snop  }
0xcc: {  	[tilespmem:s2], [sflag:$0x1] =	stream.indirect.gather [hbm4b:s1+s19], $0x1, s7, s19, $0xb8;
	[tilespmem:$0xD700] =	vst v63  }
0xcd: {  	_ = 	snop  }
0xce: {  	[tilespmem:s5], [sflag:$0x2] =	stream.indirect.gather [hbm4b:s0+s19], $0x1, s3, s19, $0xb8;
	[tilespmem:$0xD700] =	vst v63  }
0xcf: {  	_ = 	snop  }
0xd0: {  	[tilespmem:s15], [sflag:$0x3] =	stream.indirect.gather [hbm4b:s0+s19], $0x1, s6, s19, $0xb8;
	[tilespmem:$0xD700] =	vst v63  }
0xd1: {  	_ =	swait.ge [sflag:s18], $0x80  }
0xd2: {  	[sflag:s18] =	ssyncset.done $0x0  }
0xd3: {  	[sflag:s18] =	ssyncadd.s32 $0xFFFFFF80  }
0xd4: {  	_ =	swait.ge [sflag:s16], $0x80  }
0xd5: {  	[sflag:s16] =	ssyncset.done $0x0  }
0xd6: {  	[sflag:s16] =	ssyncadd.s32 $0xFFFFFF80  }
0xd7: {  	_ =	swait.ge [sflag:s17], $0x80  }
0xd8: {  	[sflag:s17] =	ssyncset.done $0x0  }
0xd9: {  	[sflag:s17] =	ssyncadd.s32 $0xFFFFFF80  }
0xda: {  	_ =	swait.ge [sflag:s18], $0x80  }
0xdb: {  	[sflag:s18] =	ssyncset.done $0x0  }
0xdc: {  	[sflag:s18] =	ssyncadd.s32 $0xFFFFFF80  }
0xdd: {  	_ =	swait.ge [sflag:s16], $0x80  }
0xde: {  	[sflag:s16] =	ssyncset.done $0x0  }
0xdf: {  	[sflag:s16] =	ssyncadd.s32 $0xFFFFFF80  }
0xe0: {  	_ =	swait.ge [sflag:s17], $0x80  }
0xe1: {  	[sflag:s17] =	ssyncset.done $0x0  }
0xe2: {  	[sflag:s17] =	ssyncadd.s32 $0xFFFFFF80  }
0xe3: {  	_ =	swait.ge [sflag:s18], $0x80  }
0xe4: {  	[sflag:s18] =	ssyncset.done $0x0  }
0xe5: {  	[sflag:s18] =	ssyncadd.s32 $0xFFFFFF80  }
0xe6: {  	_ =	swait.ge [sflag:s16], $0x80  }
0xe7: {  	[sflag:s16] =	ssyncset.done $0x0  }
0xe8: {  	v10 =	vadd.s32 s23, v5;
	[sflag:s16] =	ssyncadd.s32 $0xFFFFFF80  }
0xe9: {  	_ =	swait.ge [sflag:s17], $0x80  }
0xea: {  	[sflag:s17] =	ssyncset.done $0x0  }
0xeb: {  	v9 =	vmov s24;
	s30 =	simm.s32 $0x0;
	[sflag:s17] =	ssyncadd.s32 $0xFFFFFF80  }
0xec: {  	v11 =	vld.idx.msk [tilespmem:v8+s30+$0x0 ss:$0x1], $0xffff  }
0xed: {  	v10 =	vld.idx.msk [tilespmem:v10+s8+$0x0], $0xffff;
	_ =	sdelay $0x1  }
0xee: {  	v59 =	vld [tilespmem:s30+$0xCC80]  }
0xef: {  	v60 =	vld.idx.msk [tilespmem:v9+s30+$0x0 ss:$0x1], $0xffff;
	_ =	sdelay $0x1  }
0xf0: {  	v61 =	vld [tilespmem:s30+$0xCE00];
	vm0 =	vne.s32 v11, v10;
	vm1 =	vge.s32 v11, v0;
	v10 =	vsub.s32 v11, v0  }
0xf1: {  	v62 =	vld [tilespmem:s30+$0xCF80];
	vm0 =	vmand vm1, vm0;
	vm1 =	vlt.s32 v11, v1;
	vm2 =	vgt.s32 v10, $0x0  }
0xf2: {  	vm0 =	vmand vm1, vm0;
	v10 =	vnsel vm2, $0x0, v10  }
0xf3: {  	v11 =	vadd.f32 v60, v59;
	v10 =	vmin.u32 v10, $0x1FF;
	_ =	sdelay $0x1  }
0xf4: {  	v63 =	vld.idx.msk [tilespmem:v7+s30+$0x0 ss:$0x1], $0xffff;
	v11 =	vmax.f32 v11, v61  }
0xf5: {  	v11 =	vadd.f32 v62, v11  }
0xf6: {  	s26 =	sadd.s32 $0x10, s23  }
0xf7: {  	[tilespmem:v10+s11+$0x0] =	vst.idx.msk vm0, v11;
	v11 =	vadd.s32 s26, v5;
	_ =	sdelay $0x1  }
0xf8: {  	s29 =	simm.s32 $0x80;
	s28 =	simm.s32 $0x40;
	[tilespmem:v10+s12+$0x0] =	vst.idx.msk vm0, v63  }
.LBB2_16:
0xf9: {  	p0 =	sne.s32 s29, $0x5C0;
	s30 =	sshra.s32 s28, $0x2;
	[tilespmem:v10+s13+$0x0] =	vst.idx.msk vm0, v6;
	s28 =	smov.u32 s29  }
0xfa: {  	v10 =	vld.idx.msk [tilespmem:v8+s30+$0x0 ss:$0x1], $0xffff  }
0xfb: {  	v11 =	vld.idx.msk [tilespmem:v11+s8+$0x0], $0xffff  }
0xfc: {  	v12 =	vld [tilespmem:s30+$0xCC80]  }
0xfd: {  	v13 =	vld.idx.msk [tilespmem:v9+s30+$0x0 ss:$0x1], $0xffff  }
0xfe: {  	v14 =	vld [tilespmem:s30+$0xCE00]  }
0xff: {  	v15 =	vld [tilespmem:s30+$0xCF80]  }
0x100: {  	v16 =	vld.idx.msk [tilespmem:v7+s30+$0x0 ss:$0x1], $0xffff  }
0x101: {  	vm1 =	vge.s32 v10, v0;
	vm0 =	vne.s32 v10, v11;
	v11 =	vsub.s32 v10, v0  }
0x102: {  	vm0 =	vmand vm1, vm0;
	vm1 =	vlt.s32 v10, v1;
	vm2 =	vgt.s32 v11, $0x0  }
0x103: {  	vm0 =	vmand vm1, vm0;
	v10 =	vnsel vm2, $0x0, v11  }
0x104: {  	v11 =	vadd.f32 v13, v12;
	v10 =	vmin.u32 v10, $0x1FF;
	_ =	sdelay $0x1  }
.Ltmp9:
0x105: {  	v11 =	vmax.f32 v11, v14;
	(pc) =	sbr.rel @p0 .LBB2_16-.Ltmp9, $4  }
0x106: {  	s26 =	sadd.s32 $0x10, s26;
	v12 =	vadd.f32 v15, v11  }
0x107: {  	v11 =	vadd.s32 s26, v5  }
0x108: {  	[tilespmem:v10+s11+$0x0] =	vst.idx.msk vm0, v12  }
0x109: {  	s29 =	sadd.s32 $0x40, s29;
	[tilespmem:v10+s12+$0x0] =	vst.idx.msk vm0, v16  }
0x10a: {  	_ =	sdelay $0x4  }
0x10b: {  	s26 =	sshra.s32 s28, $0x2;
	[tilespmem:v10+s13+$0x0] =	vst.idx.msk vm0, v6  }
0x10c: {  	v8 =	vld.idx.msk [tilespmem:v8+s26+$0x0 ss:$0x1], $0xffff  }
0x10d: {  	v10 =	vld.idx.msk [tilespmem:v11+s8+$0x0], $0xffff;
	_ =	sdelay $0x1  }
0x10e: {  	v62 =	vld [tilespmem:s26+$0xCC80]  }
0x10f: {  	v9 =	vld.idx.msk [tilespmem:v9+s26+$0x0 ss:$0x1], $0xffff;
	_ =	sdelay $0x1  }
0x110: {  	v12 =	vld [tilespmem:s26+$0xCE00];
	vm14 =	vne.s32 v8, v10;
	vm1 =	vge.s32 v8, v0;
	v63 =	vsub.s32 v8, v0  }
0x111: {  	v13 =	vld [tilespmem:s26+$0xCF80];
	vm15 =	vlt.s32 v8, v1;
	vm0 =	vmand vm1, vm14;
	vm2 =	vgt.s32 v63, $0x0  }
0x112: {  	vm0 =	vmand vm15, vm0;
	v8 =	vnsel vm2, $0x0, v63  }
0x113: {  	v9 =	vadd.f32 v9, v62;
	v8 =	vmin.u32 v8, $0x1FF  }
0x114: {  	s25 =	sadd.s32 $0x1, s25;
	v7 =	vld.idx.msk [tilespmem:v7+s26+$0x0 ss:$0x1], $0xffff  }
0x115: {  	p0 =	sne.s32 s25, s14;
	v9 =	vmax.f32 v9, v12  }
.Ltmp10:
0x116: {  	v9 =	vadd.f32 v13, v9;
	(pc) =	sbr.rel @p0 .LBB2_13-.Ltmp10, $4  }
.Ltmp11:
0x117: {  	_ = 	snop;
	(pc) =	sbr.rel @!p0 .LBB2_18-.Ltmp11, $4  }
0x118: {  	[tilespmem:v8+s11+$0x0] =	vst.idx.msk vm0, v9  }
0x119: {  	s21 =	sadd.s32 $0x180, s21;
	s22 =	sadd.s32 $0x180, s22;
	[tilespmem:v8+s12+$0x0] =	vst.idx.msk vm0, v7  }
0x11a: {  	s20 =	sadd.s32 $0x180, s20;
	s23 =	sadd.s32 $0x180, s23;
	s24 =	sadd.s32 $0x180, s24;
	[tilespmem:v8+s13+$0x0] =	vst.idx.msk vm0, v6  }
0x11b: {  	_ = 	snop  }
.LBB2_19:
0x11c: {  	_ =	sfence.sel $0x180000  }
0x11d: {  	[bflag:$0x0] =	sbarrier.arrive $0xFFFF  }
0x11e: {  	_ =	strace $0x90000047  }
0x11f: {  	s0 =	stileid.u32;
	[bflag:$0x2] =	sbarrier.arrive $0xFFFF  }
0x120: {  	p0 =	sne.s32 s0, $0x0;
	s0 =	rddreg [dreg:$0x9]  }
0x121: {  	s0 =	sadd.s32 @!p0 $0x100000, s0  }
0x122: {  	[sflag:s0] =	ssyncadd.tile.s32 @!p0 $0x1;
	_ =	shalt  }
.Lfunc_end2:
_tile_overlayer_lowered:
.L_overlay_start_2:
0x123: {  	(tag) =	ssettag $0x2  }
0x124: {  	s0 =	rddreg [dreg:$0x0];
	s2 =	stileid.u32  }
0x125: {  	s1 =	rddreg [dreg:$0x1];
	p0 =	sne.s32 s2, $0x0  }
0x126: {  	s3 =	rddreg [dreg:$0x2];
	[bflag:$0x3] =	sbarrier.arrive $0xFFFF;
	s2 =	simm.s32 @!p0 $0x1C04  }
0x127: {  	[timem:s3], [sflag:s2] =	dma.local @!p0 [hbm:s0], s1  }
0x128: {  	s0 =	simm.s32 @!p0 $0x4  }
0x129: {  	_ =	swait.ge @!p0 [sflag:s0], s1  }
0x12a: {  	s1 =	ssub.s32 @!p0 $0x0, s1;
	[sflag:s0] =	ssyncset.done @!p0 $0x0  }
0x12b: {  	[sflag:s0] =	ssyncadd.s32 @!p0 s1  }
0x12c: {  	[bflag:$0x3] =	sbarrier.arrive $0xFFFF  }
0x12d: {  	_ =	shalt  }

</sc_bundles>
